<compile_context>
chip_gen: v7x
topology: tpu7x:2x2x1
jax: 0.10.2.dev20260603
libtpu: 0.0.44.dev20260713+nightly
codegen_flags: <defaults>
</compile_context>

<pallas_src>
import functools
import math

import jax
import jax.numpy as jnp
import numpy as np
from jax import lax
from jax.experimental import pallas as pl
from jax.experimental.pallas import tpu as pltpu
from jax.experimental.pallas import tpu_sc as plsc

B, S, EMBED_LEN, HIDDEN = 4096, 50, 128, 64
MAX_LEN = 256

NC, NS, L = 2, 16, 16
NW = NC * NS
N_TOK = B * S
N2 = N_TOK // 2
TOK_PER_W = N_TOK // NW
CHUNK = 128
N_CHUNK = TOK_PER_W // CHUNK
VPT = HIDDEN // L


def _pe_np(d_model=HIDDEN, max_len=MAX_LEN):
    position = np.arange(0, max_len, dtype=np.float32)[:, None]
    div_term = np.exp(
        np.arange(0, d_model, 2, dtype=np.float32) * -(math.log(10000.0) / d_model))
    pe = np.zeros((max_len, d_model), dtype=np.float32)
    odd_len = d_model - div_term.shape[-1]
    pe[:, 0::2] = np.sin(position * div_term)
    pe[:, 1::2] = np.cos(position * div_term[:odd_len])
    return pe


_PE = _pe_np()[:S]


def _sc_gather_scatter_sum(ct, oidx2, e0, e1, e2):
    mesh = plsc.VectorSubcoreMesh(
        core_axis_name="c", subcore_axis_name="s",
        num_cores=NC, num_subcores=NS)

    @functools.partial(
        pl.kernel,
        out_type=jax.ShapeDtypeStruct((N_TOK, HIDDEN), jnp.float32),
        mesh=mesh,
        compiler_params=pltpu.CompilerParams(use_tc_tiling_on_sc=False),
        scratch_types=[
            pltpu.VMEM((TOK_PER_W,), jnp.int32),
            pltpu.VMEM((TOK_PER_W,), jnp.int32),
            pltpu.VMEM((TOK_PER_W,), jnp.int32),
            pltpu.VMEM((N_CHUNK, CHUNK), jnp.int32),
            pltpu.VMEM((2, CHUNK, HIDDEN), jnp.float32),
            pltpu.VMEM((2, CHUNK, HIDDEN), jnp.float32),
            pltpu.VMEM((2, CHUNK, HIDDEN), jnp.float32),
            pltpu.VMEM((2, CHUNK, HIDDEN), jnp.float32),
            pltpu.SemaphoreType.DMA,
            pltpu.SemaphoreType.DMA,
            pltpu.SemaphoreType.DMA,
            pltpu.SemaphoreType.DMA,
        ],
    )
    def gather_sum(ct_hbm, oidx_hbm, e0_hbm, e1_hbm, e2_hbm, g_hbm,
                   i0, i1, i2, oid, r0, r1, r2, acc,
                   gsem0, gsem1, wsem0, wsem1):
        wid = lax.axis_index("s") * NC + lax.axis_index("c")
        tbase = wid * TOK_PER_W
        pltpu.sync_copy(ct_hbm.at[0, pl.ds(tbase, TOK_PER_W)], i0)
        pltpu.sync_copy(ct_hbm.at[1, pl.ds(tbase, TOK_PER_W)], i1)
        pltpu.sync_copy(ct_hbm.at[2, pl.ds(tbase, TOK_PER_W)], i2)
        pltpu.sync_copy(oidx_hbm.at[pl.ds(wid * N_CHUNK, N_CHUNK)], oid)

        gsems = (gsem0, gsem1)
        wsems = (wsem0, wsem1)

        def issue(j, p):
            off = j * CHUNK
            pltpu.async_copy(e0_hbm.at[i0.at[pl.ds(off, CHUNK)]], r0.at[p], gsems[p])
            pltpu.async_copy(e1_hbm.at[i1.at[pl.ds(off, CHUNK)]], r1.at[p], gsems[p])
            pltpu.async_copy(e2_hbm.at[i2.at[pl.ds(off, CHUNK)]], r2.at[p], gsems[p])

        def wait_gather(j, p):
            off = j * CHUNK
            pltpu.make_async_copy(
                e0_hbm.at[i0.at[pl.ds(off, CHUNK)]], r0.at[p], gsems[p]).wait()
            pltpu.make_async_copy(
                e1_hbm.at[i1.at[pl.ds(off, CHUNK)]], r1.at[p], gsems[p]).wait()
            pltpu.make_async_copy(
                e2_hbm.at[i2.at[pl.ds(off, CHUNK)]], r2.at[p], gsems[p]).wait()

        def compute(p):
            def body(tok, carry):
                for k in range(VPT):
                    sl = pl.ds(k * L, L)
                    acc[p, tok, sl] = r0[p, tok, sl] + r1[p, tok, sl] + r2[p, tok, sl]
                return carry
            lax.fori_loop(0, CHUNK, body, 0)

        def issue_write(j, p):
            pltpu.async_copy(acc.at[p], g_hbm.at[oid.at[j]], wsems[p])

        def wait_write(j, p):
            pltpu.make_async_copy(acc.at[p], g_hbm.at[oid.at[j]], wsems[p]).wait()

        issue(0, 0)

        def step(t, carry):
            issue(2 * t + 1, 1)
            wait_gather(2 * t, 0)

            @pl.when(t > 0)
            def _():
                wait_write(2 * t - 2, 0)

            compute(0)
            issue_write(2 * t, 0)

            @pl.when(t < N_CHUNK // 2 - 1)
            def _():
                issue(2 * t + 2, 0)

            wait_gather(2 * t + 1, 1)

            @pl.when(t > 0)
            def _():
                wait_write(2 * t - 1, 1)

            compute(1)
            issue_write(2 * t + 1, 1)
            return carry

        lax.fori_loop(0, N_CHUNK // 2, step, 0)
        wait_write(N_CHUNK - 2, 0)
        wait_write(N_CHUNK - 1, 1)

    return gather_sum(ct, oidx2, e0, e1, e2)


HSPLIT = 50048
TBK = 2944
NBK = HSPLIT // TBK


def _tr_body(a1, a2, b1, b2, c1, c2, eye_ref, o0, o1, o2):
    dn = (((0,), (0,)), ((), ()))
    e = eye_ref[...]
    for x1, x2, o in ((a1, a2, o0), (b1, b2, o1), (c1, c2, o2)):
        o[...] = jnp.concatenate(
            [lax.dot_general(x1[...], e, dn, preferred_element_type=jnp.float32),
             lax.dot_general(x2[...], e, dn, preferred_element_type=jnp.float32)],
            axis=1)


def _pack_tables(e0, e1, e2):
    eye = jnp.eye(HIDDEN, dtype=jnp.float32)
    ins, specs = [], []
    for e in (e0, e1, e2):
        et = e.T
        ins += [et, et]
        specs += [pl.BlockSpec((HIDDEN, TBK), lambda i: (0, i)),
                  pl.BlockSpec((HIDDEN, TBK), lambda i: (0, i + NBK))]
    specs.append(pl.BlockSpec((HIDDEN, HIDDEN), lambda i: (0, 0)))
    outs = pl.pallas_call(
        _tr_body,
        grid=(NBK,),
        in_specs=specs,
        out_specs=[pl.BlockSpec((TBK, 2 * HIDDEN), lambda i: (i, 0))] * 3,
        out_shape=[jax.ShapeDtypeStruct((HSPLIT, 2 * HIDDEN), jnp.float32)] * 3,
    )(*ins, eye)
    return [t.reshape(2 * HSPLIT, HIDDEN) for t in outs]


BBT = 4096
NBB = B // BBT
HB = BBT // 2


def _tc_body(x_ref, w_ref, p3_ref, g_ref, eye_ref, o_ref):
    x = x_ref[0]
    yt = lax.dot_general(w_ref[...], x, (((0,), (1,)), ((), ())),
                         preferred_element_type=jnp.float32)
    gp = g_ref[...]
    e = eye_ref[...]
    dn = (((1,), (1,)), ((), ()))
    ge_t = lax.dot_general(e, gp[:, :HIDDEN], dn,
                           preferred_element_type=jnp.float32)
    go_t = lax.dot_general(e, gp[:, HIDDEN:], dn,
                           preferred_element_type=jnp.float32)
    gt = jnp.concatenate([ge_t, go_t], axis=1)
    o_ref[0] = yt + p3_ref[0] + gt


def kernel(segments, semantic_embeds, categories, W, b, E0, E1, E2):
    del segments
    ct = categories.transpose(2, 0, 1).reshape(3, N_TOK)
    ct = jnp.where(ct < HSPLIT, 2 * ct, 2 * (ct - HSPLIT) + 1)
    tok = jnp.arange(N_TOK, dtype=jnp.int32)
    bb = tok // S
    ss = tok % S
    orows = (2 * (ss * (NBB * HB) + (bb // BBT) * HB + bb % HB)
             + (bb % BBT) // HB)
    oidx2 = orows.reshape(N_TOK // CHUNK, CHUNK)

    t0, t1, t2 = _pack_tables(E0, E1, E2)
    g_t = _sc_gather_scatter_sum(ct, oidx2, t0, t1, t2)
    g2 = g_t.reshape(N2, 2 * HIDDEN)

    sem_t = jnp.transpose(semantic_embeds, (1, 0, 2))
    pe_b = jnp.asarray(_PE) + b[None, :]
    p3 = pe_b[:, :, None]

    out3 = pl.pallas_call(
        _tc_body,
        grid=(S, NBB),
        in_specs=[
            pl.BlockSpec((1, BBT, EMBED_LEN), lambda s, i: (s, i, 0)),
            pl.BlockSpec((EMBED_LEN, HIDDEN), lambda s, i: (0, 0)),
            pl.BlockSpec((1, HIDDEN, 1), lambda s, i: (s, 0, 0)),
            pl.BlockSpec((HB, 2 * HIDDEN), lambda s, i: (s * NBB + i, 0)),
            pl.BlockSpec((HIDDEN, HIDDEN), lambda s, i: (0, 0)),
        ],
        out_specs=pl.BlockSpec((1, HIDDEN, BBT), lambda s, i: (s, 0, i)),
        out_shape=jax.ShapeDtypeStruct((S, HIDDEN, B), jnp.float32),
    )(sem_t, W, p3, g2, jnp.eye(HIDDEN, dtype=jnp.float32))
    return jnp.transpose(out3, (2, 0, 1))

# --- scband reference (transcript-rebuilt; emitter-appended) ---
"""Pipeline reference for scband-input-embedding-3573412790681 (READ-ONLY COPY).

The authoritative reference and input builder live on the scoring server;
editing this copy changes nothing except your own understanding.
"""

import math
import jax, jax.numpy as jnp
import numpy as np

B, S, EMBED_LEN, HIDDEN = 4096, 50, 128, 64
VOCABS = [100000, 100000, 100000]
MAX_LEN = 256


def _make_pe(d_model=HIDDEN, max_len=MAX_LEN):
    position = np.arange(0, max_len, dtype=np.float32)[:, None]
    div_term = np.exp(np.arange(0, d_model, 2, dtype=np.float32) * -(math.log(10000.0) / d_model))
    pe = np.zeros((max_len, d_model), dtype=np.float32)
    odd_len = d_model - div_term.shape[-1]
    pe[:, 0::2] = np.sin(position * div_term)
    pe[:, 1::2] = np.cos(position * div_term[:odd_len])
    return jnp.asarray(pe)[None]  # [1, max_len, d_model]


def setup_inputs(seed: int = 0) -> dict:
    key = jax.random.key(seed)
    k1, k2, k3, k4, k5, k6, k7 = jax.random.split(key, 7)
    segments = jax.random.randint(k1, (B, S), 0, MAX_LEN, dtype=jnp.int64 if jax.config.jax_enable_x64 else jnp.int32)
    semantic_embeds = jax.random.normal(k2, (B, S, EMBED_LEN), dtype=jnp.float32)
    categories = jax.random.randint(k3, (B, S, 3), 0, VOCABS[0], dtype=jnp.int32)
    W = jax.random.normal(k4, (EMBED_LEN, HIDDEN), dtype=jnp.float32) * 0.02
    b = jnp.zeros((HIDDEN,), dtype=jnp.float32)
    E0 = jax.random.normal(k5, (VOCABS[0], HIDDEN), dtype=jnp.float32) * 0.02
    E1 = jax.random.normal(k6, (VOCABS[1], HIDDEN), dtype=jnp.float32) * 0.02
    E2 = jax.random.normal(k7, (VOCABS[2], HIDDEN), dtype=jnp.float32) * 0.02
    return {"segments": segments, "semantic_embeds": semantic_embeds, "categories": categories,
            "W": W, "b": b, "E0": E0, "E1": E1, "E2": E2}


def reference(segments, semantic_embeds, categories, W, b, E0, E1, E2):
    pe = _make_pe()
    seq_len = segments.shape[1]
    # x = zeros + linear compress of semantic embeds
    x = jnp.zeros((categories.shape[0], categories.shape[1], HIDDEN), dtype=jnp.float32)
    x = x + (semantic_embeds @ W + b)
    # positional embedding (buffer, sliced to seq_len)
    x = x + pe[:, :seq_len]
    # categorical embedding lookups (one table per field)
    x = x + jnp.take(E0, categories[..., 0], axis=0)
    x = x + jnp.take(E1, categories[..., 1], axis=0)
    x = x + jnp.take(E2, categories[..., 2], axis=0)
    # dropout p=0.0 -> identity
    return x

if __name__ == "__main__":
    import jax
    _d = setup_inputs()
    print(jax.jit(kernel)(*tuple(_d.values())))

</pallas_src>

<mosaic_0001>
#map = affine_map<(d0, d1) -> (0, 0)>
module attributes {stable_mosaic.version = 14 : i64} {
  func.func @gather_sum(%arg0: i32, %arg1: i32, %arg2: memref<3x204800xi32, #tpu.memory_space<hbm>>, %arg3: memref<1600x128xi32, #tpu.memory_space<hbm>>, %arg4: memref<100096x64xf32, #tpu.memory_space<hbm>>, %arg5: memref<100096x64xf32, #tpu.memory_space<hbm>>, %arg6: memref<100096x64xf32, #tpu.memory_space<hbm>>, %arg7: memref<204800x64xf32, #tpu.memory_space<hbm>>, %arg8: memref<6400xi32, #tpu.memory_space<vmem>>, %arg9: memref<6400xi32, #tpu.memory_space<vmem>>, %arg10: memref<6400xi32, #tpu.memory_space<vmem>>, %arg11: memref<50x128xi32, #tpu.memory_space<vmem>>, %arg12: memref<2x128x64xf32, #tpu.memory_space<vmem>>, %arg13: memref<2x128x64xf32, #tpu.memory_space<vmem>>, %arg14: memref<2x128x64xf32, #tpu.memory_space<vmem>>, %arg15: memref<2x128x64xf32, #tpu.memory_space<vmem>>, %arg16: memref<!tpu.dma_semaphore, #tpu.memory_space<semaphore_mem>>, %arg17: memref<!tpu.dma_semaphore, #tpu.memory_space<semaphore_mem>>, %arg18: memref<!tpu.dma_semaphore, #tpu.memory_space<semaphore_mem>>, %arg19: memref<!tpu.dma_semaphore, #tpu.memory_space<semaphore_mem>>) attributes {dimension_semantics = [#tpu.dimension_semantics<core_parallel>, #tpu.dimension_semantics<subcore_parallel>], iteration_bounds = array<i64: 2, 16>, scalar_prefetch = 0 : i64, scratch_operands = 12 : i64, tpu.core_type = #tpu.core_type<sc_vector_subcore>, window_params = [{transform_indices = #map}, {transform_indices = #map}, {transform_indices = #map}, {transform_indices = #map}, {transform_indices = #map}, {transform_indices = #map}]} {
    %mul3A = arith.constant 2 : i32
    %mul3A_0 = arith.muli %arg1, %mul3A : i32
    %add3A = arith.addi %mul3A_0, %arg0 : i32
    %mul3A_1 = arith.constant 6400 : i32
    %mul3A_2 = arith.muli %add3A, %mul3A_1 : i32
    %run_scoped3A = arith.constant 0 : i32
    "tpu.region"() ({
      %run_scoped3A_64 = tpu.sem_alloc : memref<!tpu.dma_semaphore, #tpu.memory_space<semaphore_mem>>
      %dma_start3A_65 = tpu.memref_slice %arg2[%run_scoped3A, %mul3A_2] : memref<3x204800xi32, #tpu.memory_space<hbm>> -> memref<1x6400xi32, #tpu.memory_space<hbm>>
      %dma_start3A_66 = tpu.memref_squeeze %dma_start3A_65 : memref<1x6400xi32, #tpu.memory_space<hbm>> -> memref<6400xi32, #tpu.memory_space<hbm>>
      %dma_start3A_67 = tpu.memref_slice %arg2[%run_scoped3A, %mul3A_2] : memref<3x204800xi32, #tpu.memory_space<hbm>> -> memref<1x6400xi32, #tpu.memory_space<hbm>>
      %dma_start3A_68 = tpu.memref_squeeze %dma_start3A_67 : memref<1x6400xi32, #tpu.memory_space<hbm>> -> memref<6400xi32, #tpu.memory_space<hbm>>
      tpu.enqueue_dma source(%dma_start3A_68 : memref<6400xi32, #tpu.memory_space<hbm>>) target(%arg8 : memref<6400xi32, #tpu.memory_space<vmem>>) target_semaphore(%run_scoped3A_64 : memref<!tpu.dma_semaphore, #tpu.memory_space<semaphore_mem>>)
      %dma_wait3A_69 = tpu.memref_slice %arg2[%run_scoped3A, %mul3A_2] : memref<3x204800xi32, #tpu.memory_space<hbm>> -> memref<1x6400xi32, #tpu.memory_space<hbm>>
      %dma_wait3A_70 = tpu.memref_squeeze %dma_wait3A_69 : memref<1x6400xi32, #tpu.memory_space<hbm>> -> memref<6400xi32, #tpu.memory_space<hbm>>
      %dma_wait3A_71 = tpu.memref_slice %arg2[%run_scoped3A, %mul3A_2] : memref<3x204800xi32, #tpu.memory_space<hbm>> -> memref<1x6400xi32, #tpu.memory_space<hbm>>
      %dma_wait3A_72 = tpu.memref_squeeze %dma_wait3A_71 : memref<1x6400xi32, #tpu.memory_space<hbm>> -> memref<6400xi32, #tpu.memory_space<hbm>>
      tpu.wait_dma2 semaphore(%run_scoped3A_64 : memref<!tpu.dma_semaphore, #tpu.memory_space<semaphore_mem>>) src(%dma_wait3A_72 : memref<6400xi32, #tpu.memory_space<hbm>>) dst(%arg8 : memref<6400xi32, #tpu.memory_space<vmem>>)
      tpu.yield
    }) : () -> ()
    %run_scoped3A_3 = arith.constant 1 : i32
    "tpu.region"() ({
      %run_scoped3A_64 = tpu.sem_alloc : memref<!tpu.dma_semaphore, #tpu.memory_space<semaphore_mem>>
      %dma_start3A_65 = tpu.memref_slice %arg2[%run_scoped3A_3, %mul3A_2] : memref<3x204800xi32, #tpu.memory_space<hbm>> -> memref<1x6400xi32, #tpu.memory_space<hbm>>
      %dma_start3A_66 = tpu.memref_squeeze %dma_start3A_65 : memref<1x6400xi32, #tpu.memory_space<hbm>> -> memref<6400xi32, #tpu.memory_space<hbm>>
      %dma_start3A_67 = tpu.memref_slice %arg2[%run_scoped3A_3, %mul3A_2] : memref<3x204800xi32, #tpu.memory_space<hbm>> -> memref<1x6400xi32, #tpu.memory_space<hbm>>
      %dma_start3A_68 = tpu.memref_squeeze %dma_start3A_67 : memref<1x6400xi32, #tpu.memory_space<hbm>> -> memref<6400xi32, #tpu.memory_space<hbm>>
      tpu.enqueue_dma source(%dma_start3A_68 : memref<6400xi32, #tpu.memory_space<hbm>>) target(%arg9 : memref<6400xi32, #tpu.memory_space<vmem>>) target_semaphore(%run_scoped3A_64 : memref<!tpu.dma_semaphore, #tpu.memory_space<semaphore_mem>>)
      %dma_wait3A_69 = tpu.memref_slice %arg2[%run_scoped3A_3, %mul3A_2] : memref<3x204800xi32, #tpu.memory_space<hbm>> -> memref<1x6400xi32, #tpu.memory_space<hbm>>
      %dma_wait3A_70 = tpu.memref_squeeze %dma_wait3A_69 : memref<1x6400xi32, #tpu.memory_space<hbm>> -> memref<6400xi32, #tpu.memory_space<hbm>>
      %dma_wait3A_71 = tpu.memref_slice %arg2[%run_scoped3A_3, %mul3A_2] : memref<3x204800xi32, #tpu.memory_space<hbm>> -> memref<1x6400xi32, #tpu.memory_space<hbm>>
      %dma_wait3A_72 = tpu.memref_squeeze %dma_wait3A_71 : memref<1x6400xi32, #tpu.memory_space<hbm>> -> memref<6400xi32, #tpu.memory_space<hbm>>
      tpu.wait_dma2 semaphore(%run_scoped3A_64 : memref<!tpu.dma_semaphore, #tpu.memory_space<semaphore_mem>>) src(%dma_wait3A_72 : memref<6400xi32, #tpu.memory_space<hbm>>) dst(%arg9 : memref<6400xi32, #tpu.memory_space<vmem>>)
      tpu.yield
    }) : () -> ()
    %run_scoped3A_4 = arith.constant 2 : i32
    "tpu.region"() ({
      %run_scoped3A_64 = tpu.sem_alloc : memref<!tpu.dma_semaphore, #tpu.memory_space<semaphore_mem>>
      %dma_start3A_65 = tpu.memref_slice %arg2[%run_scoped3A_4, %mul3A_2] : memref<3x204800xi32, #tpu.memory_space<hbm>> -> memref<1x6400xi32, #tpu.memory_space<hbm>>
      %dma_start3A_66 = tpu.memref_squeeze %dma_start3A_65 : memref<1x6400xi32, #tpu.memory_space<hbm>> -> memref<6400xi32, #tpu.memory_space<hbm>>
      %dma_start3A_67 = tpu.memref_slice %arg2[%run_scoped3A_4, %mul3A_2] : memref<3x204800xi32, #tpu.memory_space<hbm>> -> memref<1x6400xi32, #tpu.memory_space<hbm>>
      %dma_start3A_68 = tpu.memref_squeeze %dma_start3A_67 : memref<1x6400xi32, #tpu.memory_space<hbm>> -> memref<6400xi32, #tpu.memory_space<hbm>>
      tpu.enqueue_dma source(%dma_start3A_68 : memref<6400xi32, #tpu.memory_space<hbm>>) target(%arg10 : memref<6400xi32, #tpu.memory_space<vmem>>) target_semaphore(%run_scoped3A_64 : memref<!tpu.dma_semaphore, #tpu.memory_space<semaphore_mem>>)
      %dma_wait3A_69 = tpu.memref_slice %arg2[%run_scoped3A_4, %mul3A_2] : memref<3x204800xi32, #tpu.memory_space<hbm>> -> memref<1x6400xi32, #tpu.memory_space<hbm>>
      %dma_wait3A_70 = tpu.memref_squeeze %dma_wait3A_69 : memref<1x6400xi32, #tpu.memory_space<hbm>> -> memref<6400xi32, #tpu.memory_space<hbm>>
      %dma_wait3A_71 = tpu.memref_slice %arg2[%run_scoped3A_4, %mul3A_2] : memref<3x204800xi32, #tpu.memory_space<hbm>> -> memref<1x6400xi32, #tpu.memory_space<hbm>>
      %dma_wait3A_72 = tpu.memref_squeeze %dma_wait3A_71 : memref<1x6400xi32, #tpu.memory_space<hbm>> -> memref<6400xi32, #tpu.memory_space<hbm>>
      tpu.wait_dma2 semaphore(%run_scoped3A_64 : memref<!tpu.dma_semaphore, #tpu.memory_space<semaphore_mem>>) src(%dma_wait3A_72 : memref<6400xi32, #tpu.memory_space<hbm>>) dst(%arg10 : memref<6400xi32, #tpu.memory_space<vmem>>)
      tpu.yield
    }) : () -> ()
    %mul3A_5 = arith.constant 50 : i32
    %mul3A_6 = arith.muli %add3A, %mul3A_5 : i32
    "tpu.region"() ({
      %run_scoped3A_64 = tpu.sem_alloc : memref<!tpu.dma_semaphore, #tpu.memory_space<semaphore_mem>>
      %dma_start3A_65 = arith.constant 0 : i32
      %dma_start3A_66 = tpu.memref_slice %arg3[%mul3A_6, %dma_start3A_65] : memref<1600x128xi32, #tpu.memory_space<hbm>> -> memref<50x128xi32, #tpu.memory_space<hbm>>
      %dma_start3A_67 = arith.constant 0 : i32
      %dma_start3A_68 = tpu.memref_slice %arg3[%mul3A_6, %dma_start3A_67] : memref<1600x128xi32, #tpu.memory_space<hbm>> -> memref<50x128xi32, #tpu.memory_space<hbm>>
      tpu.enqueue_dma source(%dma_start3A_68 : memref<50x128xi32, #tpu.memory_space<hbm>>) target(%arg11 : memref<50x128xi32, #tpu.memory_space<vmem>>) target_semaphore(%run_scoped3A_64 : memref<!tpu.dma_semaphore, #tpu.memory_space<semaphore_mem>>)
      %dma_wait3A_69 = arith.constant 0 : i32
      %dma_wait3A_70 = tpu.memref_slice %arg3[%mul3A_6, %dma_wait3A_69] : memref<1600x128xi32, #tpu.memory_space<hbm>> -> memref<50x128xi32, #tpu.memory_space<hbm>>
      %dma_wait3A_71 = arith.constant 0 : i32
      %dma_wait3A_72 = tpu.memref_slice %arg3[%mul3A_6, %dma_wait3A_71] : memref<1600x128xi32, #tpu.memory_space<hbm>> -> memref<50x128xi32, #tpu.memory_space<hbm>>
      tpu.wait_dma2 semaphore(%run_scoped3A_64 : memref<!tpu.dma_semaphore, #tpu.memory_space<semaphore_mem>>) src(%dma_wait3A_72 : memref<50x128xi32, #tpu.memory_space<hbm>>) dst(%arg11 : memref<50x128xi32, #tpu.memory_space<vmem>>)
      tpu.yield
    }) : () -> ()
    %dma_start3A = arith.constant 0 : i32
    %dma_start3A_7 = arith.constant 0 : i32
    %dma_start3A_8 = arith.constant 0 : i32
    %dma_start3A_9 = tpu.memref_slice %arg12[%dma_start3A, %dma_start3A_7, %dma_start3A_8] : memref<2x128x64xf32, #tpu.memory_space<vmem>> -> memref<1x128x64xf32, #tpu.memory_space<vmem>>
    %dma_start3A_10 = tpu.memref_squeeze %dma_start3A_9 : memref<1x128x64xf32, #tpu.memory_space<vmem>> -> memref<128x64xf32, #tpu.memory_space<vmem>>
    %dma_start3A_11 = arith.constant 0 : i32
    %dma_start3A_12 = tpu.memref_slice %arg8[%dma_start3A_11] : memref<6400xi32, #tpu.memory_space<vmem>> -> memref<128xi32, #tpu.memory_space<vmem>>
    %dma_start3A_13 = arith.constant 0 : i32
    %dma_start3A_14 = arith.constant 0 : i32
    %dma_start3A_15 = tpu.memref_slice %arg4[%dma_start3A_13, %dma_start3A_14] : memref<100096x64xf32, #tpu.memory_space<hbm>> -> memref<100096x64xf32, #tpu.memory_space<hbm>>
    tpu.enqueue_indirect_dma source(%dma_start3A_15 : memref<100096x64xf32, #tpu.memory_space<hbm>>) target(%dma_start3A_10 : memref<128x64xf32, #tpu.memory_space<vmem>>) offsets(%dma_start3A_12 : memref<128xi32, #tpu.memory_space<vmem>>) semaphore(%arg16 : memref<!tpu.dma_semaphore, #tpu.memory_space<semaphore_mem>>)
    %dma_start3A_16 = arith.constant 0 : i32
    %dma_start3A_17 = arith.constant 0 : i32
    %dma_start3A_18 = arith.constant 0 : i32
    %dma_start3A_19 = tpu.memref_slice %arg13[%dma_start3A_16, %dma_start3A_17, %dma_start3A_18] : memref<2x128x64xf32, #tpu.memory_space<vmem>> -> memref<1x128x64xf32, #tpu.memory_space<vmem>>
    %dma_start3A_20 = tpu.memref_squeeze %dma_start3A_19 : memref<1x128x64xf32, #tpu.memory_space<vmem>> -> memref<128x64xf32, #tpu.memory_space<vmem>>
    %dma_start3A_21 = arith.constant 0 : i32
    %dma_start3A_22 = tpu.memref_slice %arg9[%dma_start3A_21] : memref<6400xi32, #tpu.memory_space<vmem>> -> memref<128xi32, #tpu.memory_space<vmem>>
    %dma_start3A_23 = arith.constant 0 : i32
    %dma_start3A_24 = arith.constant 0 : i32
    %dma_start3A_25 = tpu.memref_slice %arg5[%dma_start3A_23, %dma_start3A_24] : memref<100096x64xf32, #tpu.memory_space<hbm>> -> memref<100096x64xf32, #tpu.memory_space<hbm>>
    tpu.enqueue_indirect_dma source(%dma_start3A_25 : memref<100096x64xf32, #tpu.memory_space<hbm>>) target(%dma_start3A_20 : memref<128x64xf32, #tpu.memory_space<vmem>>) offsets(%dma_start3A_22 : memref<128xi32, #tpu.memory_space<vmem>>) semaphore(%arg16 : memref<!tpu.dma_semaphore, #tpu.memory_space<semaphore_mem>>)
    %dma_start3A_26 = arith.constant 0 : i32
    %dma_start3A_27 = arith.constant 0 : i32
    %dma_start3A_28 = arith.constant 0 : i32
    %dma_start3A_29 = tpu.memref_slice %arg14[%dma_start3A_26, %dma_start3A_27, %dma_start3A_28] : memref<2x128x64xf32, #tpu.memory_space<vmem>> -> memref<1x128x64xf32, #tpu.memory_space<vmem>>
    %dma_start3A_30 = tpu.memref_squeeze %dma_start3A_29 : memref<1x128x64xf32, #tpu.memory_space<vmem>> -> memref<128x64xf32, #tpu.memory_space<vmem>>
    %dma_start3A_31 = arith.constant 0 : i32
    %dma_start3A_32 = tpu.memref_slice %arg10[%dma_start3A_31] : memref<6400xi32, #tpu.memory_space<vmem>> -> memref<128xi32, #tpu.memory_space<vmem>>
    %dma_start3A_33 = arith.constant 0 : i32
    %dma_start3A_34 = arith.constant 0 : i32
    %dma_start3A_35 = tpu.memref_slice %arg6[%dma_start3A_33, %dma_start3A_34] : memref<100096x64xf32, #tpu.memory_space<hbm>> -> memref<100096x64xf32, #tpu.memory_space<hbm>>
    tpu.enqueue_indirect_dma source(%dma_start3A_35 : memref<100096x64xf32, #tpu.memory_space<hbm>>) target(%dma_start3A_30 : memref<128x64xf32, #tpu.memory_space<vmem>>) offsets(%dma_start3A_32 : memref<128xi32, #tpu.memory_space<vmem>>) semaphore(%arg16 : memref<!tpu.dma_semaphore, #tpu.memory_space<semaphore_mem>>)
    %scan3A = arith.constant 0 : i32
    %scan3A_36 = arith.constant 0 : i32
    %scan3A_37 = arith.constant 25 : i32
    %scan3A_38 = arith.addi %scan3A_36, %scan3A_37 : i32
    %scan3A_39 = arith.constant 1 : i32
    scf.for %scan3A_64 = %scan3A_36 to %scan3A_38 step %scan3A_39  : i32 {
      %mul3A_65 = arith.constant 2 : i32
      %mul3A_66 = arith.muli %mul3A_65, %scan3A_64 : i32
      %add3A_67 = arith.constant 1 : i32
      %add3A_68 = arith.addi %mul3A_66, %add3A_67 : i32
      %mul3A_69 = arith.constant 128 : i32
      %mul3A_70 = arith.muli %add3A_68, %mul3A_69 : i32
      %dma_start3A_71 = arith.constant 1 : i32
      %dma_start3A_72 = arith.constant 0 : i32
      %dma_start3A_73 = arith.constant 0 : i32
      %dma_start3A_74 = tpu.memref_slice %arg12[%dma_start3A_71, %dma_start3A_72, %dma_start3A_73] : memref<2x128x64xf32, #tpu.memory_space<vmem>> -> memref<1x128x64xf32, #tpu.memory_space<vmem>>
      %dma_start3A_75 = tpu.memref_squeeze %dma_start3A_74 : memref<1x128x64xf32, #tpu.memory_space<vmem>> -> memref<128x64xf32, #tpu.memory_space<vmem>>
      %dma_start3A_76 = tpu.memref_slice %arg8[%mul3A_70] : memref<6400xi32, #tpu.memory_space<vmem>> -> memref<128xi32, #tpu.memory_space<vmem>>
      %dma_start3A_77 = arith.constant 0 : i32
      %dma_start3A_78 = arith.constant 0 : i32
      %dma_start3A_79 = tpu.memref_slice %arg4[%dma_start3A_77, %dma_start3A_78] : memref<100096x64xf32, #tpu.memory_space<hbm>> -> memref<100096x64xf32, #tpu.memory_space<hbm>>
      tpu.enqueue_indirect_dma source(%dma_start3A_79 : memref<100096x64xf32, #tpu.memory_space<hbm>>) target(%dma_start3A_75 : memref<128x64xf32, #tpu.memory_space<vmem>>) offsets(%dma_start3A_76 : memref<128xi32, #tpu.memory_space<vmem>>) semaphore(%arg17 : memref<!tpu.dma_semaphore, #tpu.memory_space<semaphore_mem>>)
      %dma_start3A_80 = arith.constant 1 : i32
      %dma_start3A_81 = arith.constant 0 : i32
      %dma_start3A_82 = arith.constant 0 : i32
      %dma_start3A_83 = tpu.memref_slice %arg13[%dma_start3A_80, %dma_start3A_81, %dma_start3A_82] : memref<2x128x64xf32, #tpu.memory_space<vmem>> -> memref<1x128x64xf32, #tpu.memory_space<vmem>>
      %dma_start3A_84 = tpu.memref_squeeze %dma_start3A_83 : memref<1x128x64xf32, #tpu.memory_space<vmem>> -> memref<128x64xf32, #tpu.memory_space<vmem>>
      %dma_start3A_85 = tpu.memref_slice %arg9[%mul3A_70] : memref<6400xi32, #tpu.memory_space<vmem>> -> memref<128xi32, #tpu.memory_space<vmem>>
      %dma_start3A_86 = arith.constant 0 : i32
      %dma_start3A_87 = arith.constant 0 : i32
      %dma_start3A_88 = tpu.memref_slice %arg5[%dma_start3A_86, %dma_start3A_87] : memref<100096x64xf32, #tpu.memory_space<hbm>> -> memref<100096x64xf32, #tpu.memory_space<hbm>>
      tpu.enqueue_indirect_dma source(%dma_start3A_88 : memref<100096x64xf32, #tpu.memory_space<hbm>>) target(%dma_start3A_84 : memref<128x64xf32, #tpu.memory_space<vmem>>) offsets(%dma_start3A_85 : memref<128xi32, #tpu.memory_space<vmem>>) semaphore(%arg17 : memref<!tpu.dma_semaphore, #tpu.memory_space<semaphore_mem>>)
      %dma_start3A_89 = arith.constant 1 : i32
      %dma_start3A_90 = arith.constant 0 : i32
      %dma_start3A_91 = arith.constant 0 : i32
      %dma_start3A_92 = tpu.memref_slice %arg14[%dma_start3A_89, %dma_start3A_90, %dma_start3A_91] : memref<2x128x64xf32, #tpu.memory_space<vmem>> -> memref<1x128x64xf32, #tpu.memory_space<vmem>>
      %dma_start3A_93 = tpu.memref_squeeze %dma_start3A_92 : memref<1x128x64xf32, #tpu.memory_space<vmem>> -> memref<128x64xf32, #tpu.memory_space<vmem>>
      %dma_start3A_94 = tpu.memref_slice %arg10[%mul3A_70] : memref<6400xi32, #tpu.memory_space<vmem>> -> memref<128xi32, #tpu.memory_space<vmem>>
      %dma_start3A_95 = arith.constant 0 : i32
      %dma_start3A_96 = arith.constant 0 : i32
      %dma_start3A_97 = tpu.memref_slice %arg6[%dma_start3A_95, %dma_start3A_96] : memref<100096x64xf32, #tpu.memory_space<hbm>> -> memref<100096x64xf32, #tpu.memory_space<hbm>>
      tpu.enqueue_indirect_dma source(%dma_start3A_97 : memref<100096x64xf32, #tpu.memory_space<hbm>>) target(%dma_start3A_93 : memref<128x64xf32, #tpu.memory_space<vmem>>) offsets(%dma_start3A_94 : memref<128xi32, #tpu.memory_space<vmem>>) semaphore(%arg17 : memref<!tpu.dma_semaphore, #tpu.memory_space<semaphore_mem>>)
      %mul3A_98 = arith.constant 2 : i32
      %mul3A_99 = arith.muli %mul3A_98, %scan3A_64 : i32
      %mul3A_100 = arith.constant 128 : i32
      %mul3A_101 = arith.muli %mul3A_99, %mul3A_100 : i32
      %dma_wait3A_102 = arith.constant 0 : i32
      %dma_wait3A_103 = arith.constant 0 : i32
      %dma_wait3A_104 = arith.constant 0 : i32
      %dma_wait3A_105 = tpu.memref_slice %arg12[%dma_wait3A_102, %dma_wait3A_103, %dma_wait3A_104] : memref<2x128x64xf32, #tpu.memory_space<vmem>> -> memref<1x128x64xf32, #tpu.memory_space<vmem>>
      %dma_wait3A_106 = tpu.memref_squeeze %dma_wait3A_105 : memref<1x128x64xf32, #tpu.memory_space<vmem>> -> memref<128x64xf32, #tpu.memory_space<vmem>>
      %dma_wait3A_107 = tpu.memref_slice %arg8[%mul3A_101] : memref<6400xi32, #tpu.memory_space<vmem>> -> memref<128xi32, #tpu.memory_space<vmem>>
      %dma_wait3A_108 = arith.constant 0 : i32
      %dma_wait3A_109 = arith.constant 0 : i32
      %dma_wait3A_110 = tpu.memref_slice %arg4[%dma_wait3A_108, %dma_wait3A_109] : memref<100096x64xf32, #tpu.memory_space<hbm>> -> memref<100096x64xf32, #tpu.memory_space<hbm>>
      tpu.wait_indirect_dma semaphore(%arg16 : memref<!tpu.dma_semaphore, #tpu.memory_space<semaphore_mem>>) src(%dma_wait3A_110 : memref<100096x64xf32, #tpu.memory_space<hbm>>) dst(%dma_wait3A_106 : memref<128x64xf32, #tpu.memory_space<vmem>>)
      %dma_wait3A_111 = arith.constant 0 : i32
      %dma_wait3A_112 = arith.constant 0 : i32
      %dma_wait3A_113 = arith.constant 0 : i32
      %dma_wait3A_114 = tpu.memref_slice %arg13[%dma_wait3A_111, %dma_wait3A_112, %dma_wait3A_113] : memref<2x128x64xf32, #tpu.memory_space<vmem>> -> memref<1x128x64xf32, #tpu.memory_space<vmem>>
      %dma_wait3A_115 = tpu.memref_squeeze %dma_wait3A_114 : memref<1x128x64xf32, #tpu.memory_space<vmem>> -> memref<128x64xf32, #tpu.memory_space<vmem>>
      %dma_wait3A_116 = tpu.memref_slice %arg9[%mul3A_101] : memref<6400xi32, #tpu.memory_space<vmem>> -> memref<128xi32, #tpu.memory_space<vmem>>
      %dma_wait3A_117 = arith.constant 0 : i32
      %dma_wait3A_118 = arith.constant 0 : i32
      %dma_wait3A_119 = tpu.memref_slice %arg5[%dma_wait3A_117, %dma_wait3A_118] : memref<100096x64xf32, #tpu.memory_space<hbm>> -> memref<100096x64xf32, #tpu.memory_space<hbm>>
      tpu.wait_indirect_dma semaphore(%arg16 : memref<!tpu.dma_semaphore, #tpu.memory_space<semaphore_mem>>) src(%dma_wait3A_119 : memref<100096x64xf32, #tpu.memory_space<hbm>>) dst(%dma_wait3A_115 : memref<128x64xf32, #tpu.memory_space<vmem>>)
      %dma_wait3A_120 = arith.constant 0 : i32
      %dma_wait3A_121 = arith.constant 0 : i32
      %dma_wait3A_122 = arith.constant 0 : i32
      %dma_wait3A_123 = tpu.memref_slice %arg14[%dma_wait3A_120, %dma_wait3A_121, %dma_wait3A_122] : memref<2x128x64xf32, #tpu.memory_space<vmem>> -> memref<1x128x64xf32, #tpu.memory_space<vmem>>
      %dma_wait3A_124 = tpu.memref_squeeze %dma_wait3A_123 : memref<1x128x64xf32, #tpu.memory_space<vmem>> -> memref<128x64xf32, #tpu.memory_space<vmem>>
      %dma_wait3A_125 = tpu.memref_slice %arg10[%mul3A_101] : memref<6400xi32, #tpu.memory_space<vmem>> -> memref<128xi32, #tpu.memory_space<vmem>>
      %dma_wait3A_126 = arith.constant 0 : i32
      %dma_wait3A_127 = arith.constant 0 : i32
      %dma_wait3A_128 = tpu.memref_slice %arg6[%dma_wait3A_126, %dma_wait3A_127] : memref<100096x64xf32, #tpu.memory_space<hbm>> -> memref<100096x64xf32, #tpu.memory_space<hbm>>
      tpu.wait_indirect_dma semaphore(%arg16 : memref<!tpu.dma_semaphore, #tpu.memory_space<semaphore_mem>>) src(%dma_wait3A_128 : memref<100096x64xf32, #tpu.memory_space<hbm>>) dst(%dma_wait3A_124 : memref<128x64xf32, #tpu.memory_space<vmem>>)
      %gt3A = arith.constant 0 : i32
      %gt3A_129 = arith.cmpi sgt, %scan3A_64, %gt3A : i32
      %convert_element_type3A = arith.extui %gt3A_129 : i1 to i32
      %cond3A = arith.constant 0 : i32
      %cond3A_130 = arith.cmpi ne, %convert_element_type3A, %cond3A : i32
      scf.if %cond3A_130 {
        %mul3A_213 = arith.constant 2 : i32
        %mul3A_214 = arith.muli %mul3A_213, %scan3A_64 : i32
        %sub3A = arith.constant 2 : i32
        %sub3A_215 = arith.subi %mul3A_214, %sub3A : i32
        %dma_wait3A_216 = arith.constant 0 : i32
        %dma_wait3A_217 = arith.constant 0 : i32
        %dma_wait3A_218 = arith.constant 0 : i32
        %dma_wait3A_219 = tpu.memref_slice %arg15[%dma_wait3A_216, %dma_wait3A_217, %dma_wait3A_218] : memref<2x128x64xf32, #tpu.memory_space<vmem>> -> memref<1x128x64xf32, #tpu.memory_space<vmem>>
        %dma_wait3A_220 = tpu.memref_squeeze %dma_wait3A_219 : memref<1x128x64xf32, #tpu.memory_space<vmem>> -> memref<128x64xf32, #tpu.memory_space<vmem>>
        %dma_wait3A_221 = arith.constant 0 : i32
        %dma_wait3A_222 = tpu.memref_slice %arg11[%sub3A_215, %dma_wait3A_221] : memref<50x128xi32, #tpu.memory_space<vmem>> -> memref<1x128xi32, #tpu.memory_space<vmem>>
        %dma_wait3A_223 = tpu.memref_squeeze %dma_wait3A_222 : memref<1x128xi32, #tpu.memory_space<vmem>> -> memref<128xi32, #tpu.memory_space<vmem>>
        %dma_wait3A_224 = arith.constant 0 : i32
        %dma_wait3A_225 = arith.constant 0 : i32
        %dma_wait3A_226 = tpu.memref_slice %arg7[%dma_wait3A_224, %dma_wait3A_225] : memref<204800x64xf32, #tpu.memory_space<hbm>> -> memref<204800x64xf32, #tpu.memory_space<hbm>>
        tpu.wait_indirect_dma semaphore(%arg18 : memref<!tpu.dma_semaphore, #tpu.memory_space<semaphore_mem>>) src(%dma_wait3A_220 : memref<128x64xf32, #tpu.memory_space<vmem>>) dst(%dma_wait3A_226 : memref<204800x64xf32, #tpu.memory_space<hbm>>)
      } else {
      }
      %scan3A_131 = arith.constant 0 : i32
      %scan3A_132 = arith.constant 0 : i32
      %scan3A_133 = arith.constant 128 : i32
      %scan3A_134 = arith.addi %scan3A_132, %scan3A_133 : i32
      %scan3A_135 = arith.constant 1 : i32
      scf.for %scan3A_213 = %scan3A_132 to %scan3A_134 step %scan3A_135  : i32 {
        %get3A = arith.constant 0 : i32
        %get3A_214 = arith.index_cast %get3A : i32 to index
        %get3A_215 = arith.index_cast %scan3A_213 : i32 to index
        %get3A_216 = arith.constant 0 : index
        %get3A_217 = tpu.vector_load %arg12[%get3A_214, %get3A_215, %get3A_216] {strides = array<i32>} : memref<2x128x64xf32, #tpu.memory_space<vmem>>, vector<1x1x16xf32>,
        %get3A_218 = vector.shape_cast %get3A_217 : vector<1x1x16xf32> to vector<16xf32>
        %get3A_219 = arith.constant 0 : i32
        %get3A_220 = arith.index_cast %get3A_219 : i32 to index
        %get3A_221 = arith.index_cast %scan3A_213 : i32 to index
        %get3A_222 = arith.constant 0 : index
        %get3A_223 = tpu.vector_load %arg13[%get3A_220, %get3A_221, %get3A_222] {strides = array<i32>} : memref<2x128x64xf32, #tpu.memory_space<vmem>>, vector<1x1x16xf32>,
        %get3A_224 = vector.shape_cast %get3A_223 : vector<1x1x16xf32> to vector<16xf32>
        %add3A_225 = arith.addf %get3A_218, %get3A_224 : vector<16xf32>
        %get3A_226 = arith.constant 0 : i32
        %get3A_227 = arith.index_cast %get3A_226 : i32 to index
        %get3A_228 = arith.index_cast %scan3A_213 : i32 to index
        %get3A_229 = arith.constant 0 : index
        %get3A_230 = tpu.vector_load %arg14[%get3A_227, %get3A_228, %get3A_229] {strides = array<i32>} : memref<2x128x64xf32, #tpu.memory_space<vmem>>, vector<1x1x16xf32>,
        %get3A_231 = vector.shape_cast %get3A_230 : vector<1x1x16xf32> to vector<16xf32>
        %add3A_232 = arith.addf %add3A_225, %get3A_231 : vector<16xf32>
        %swap3A = arith.constant 0 : i32
        %swap3A_233 = arith.index_cast %swap3A : i32 to index
        %swap3A_234 = arith.index_cast %scan3A_213 : i32 to index
        %swap3A_235 = arith.constant 0 : index
        %swap3A_236 = tpu.vector_load %arg15[%swap3A_233, %swap3A_234, %swap3A_235] {strides = array<i32>} : memref<2x128x64xf32, #tpu.memory_space<vmem>>, vector<1x1x16xf32>,
        %swap3A_237 = vector.shape_cast %swap3A_236 : vector<1x1x16xf32> to vector<16xf32>
        %swap3A_238 = vector.shape_cast %add3A_232 : vector<16xf32> to vector<1x1x16xf32>
        tpu.vector_store %arg15[%swap3A_233, %swap3A_234, %swap3A_235], %swap3A_238 {strides = array<i32>} : memref<2x128x64xf32, #tpu.memory_space<vmem>>, vector<1x1x16xf32>,
        %get3A_239 = arith.constant 0 : i32
        %get3A_240 = arith.index_cast %get3A_239 : i32 to index
        %get3A_241 = arith.index_cast %scan3A_213 : i32 to index
        %get3A_242 = arith.constant 16 : index
        %get3A_243 = tpu.vector_load %arg12[%get3A_240, %get3A_241, %get3A_242] {strides = array<i32>} : memref<2x128x64xf32, #tpu.memory_space<vmem>>, vector<1x1x16xf32>,
        %get3A_244 = vector.shape_cast %get3A_243 : vector<1x1x16xf32> to vector<16xf32>
        %get3A_245 = arith.constant 0 : i32
        %get3A_246 = arith.index_cast %get3A_245 : i32 to index
        %get3A_247 = arith.index_cast %scan3A_213 : i32 to index
        %get3A_248 = arith.constant 16 : index
        %get3A_249 = tpu.vector_load %arg13[%get3A_246, %get3A_247, %get3A_248] {strides = array<i32>} : memref<2x128x64xf32, #tpu.memory_space<vmem>>, vector<1x1x16xf32>,
        %get3A_250 = vector.shape_cast %get3A_249 : vector<1x1x16xf32> to vector<16xf32>
        %add3A_251 = arith.addf %get3A_244, %get3A_250 : vector<16xf32>
        %get3A_252 = arith.constant 0 : i32
        %get3A_253 = arith.index_cast %get3A_252 : i32 to index
        %get3A_254 = arith.index_cast %scan3A_213 : i32 to index
        %get3A_255 = arith.constant 16 : index
        %get3A_256 = tpu.vector_load %arg14[%get3A_253, %get3A_254, %get3A_255] {strides = array<i32>} : memref<2x128x64xf32, #tpu.memory_space<vmem>>, vector<1x1x16xf32>,
        %get3A_257 = vector.shape_cast %get3A_256 : vector<1x1x16xf32> to vector<16xf32>
        %add3A_258 = arith.addf %add3A_251, %get3A_257 : vector<16xf32>
        %swap3A_259 = arith.constant 0 : i32
        %swap3A_260 = arith.index_cast %swap3A_259 : i32 to index
        %swap3A_261 = arith.index_cast %scan3A_213 : i32 to index
        %swap3A_262 = arith.constant 16 : index
        %swap3A_263 = tpu.vector_load %arg15[%swap3A_260, %swap3A_261, %swap3A_262] {strides = array<i32>} : memref<2x128x64xf32, #tpu.memory_space<vmem>>, vector<1x1x16xf32>,
        %swap3A_264 = vector.shape_cast %swap3A_263 : vector<1x1x16xf32> to vector<16xf32>
        %swap3A_265 = vector.shape_cast %add3A_258 : vector<16xf32> to vector<1x1x16xf32>
        tpu.vector_store %arg15[%swap3A_260, %swap3A_261, %swap3A_262], %swap3A_265 {strides = array<i32>} : memref<2x128x64xf32, #tpu.memory_space<vmem>>, vector<1x1x16xf32>,
        %get3A_266 = arith.constant 0 : i32
        %get3A_267 = arith.index_cast %get3A_266 : i32 to index
        %get3A_268 = arith.index_cast %scan3A_213 : i32 to index
        %get3A_269 = arith.constant 32 : index
        %get3A_270 = tpu.vector_load %arg12[%get3A_267, %get3A_268, %get3A_269] {strides = array<i32>} : memref<2x128x64xf32, #tpu.memory_space<vmem>>, vector<1x1x16xf32>,
        %get3A_271 = vector.shape_cast %get3A_270 : vector<1x1x16xf32> to vector<16xf32>
        %get3A_272 = arith.constant 0 : i32
        %get3A_273 = arith.index_cast %get3A_272 : i32 to index
        %get3A_274 = arith.index_cast %scan3A_213 : i32 to index
        %get3A_275 = arith.constant 32 : index
        %get3A_276 = tpu.vector_load %arg13[%get3A_273, %get3A_274, %get3A_275] {strides = array<i32>} : memref<2x128x64xf32, #tpu.memory_space<vmem>>, vector<1x1x16xf32>,
        %get3A_277 = vector.shape_cast %get3A_276 : vector<1x1x16xf32> to vector<16xf32>
        %add3A_278 = arith.addf %get3A_271, %get3A_277 : vector<16xf32>
        %get3A_279 = arith.constant 0 : i32
        %get3A_280 = arith.index_cast %get3A_279 : i32 to index
        %get3A_281 = arith.index_cast %scan3A_213 : i32 to index
        %get3A_282 = arith.constant 32 : index
        %get3A_283 = tpu.vector_load %arg14[%get3A_280, %get3A_281, %get3A_282] {strides = array<i32>} : memref<2x128x64xf32, #tpu.memory_space<vmem>>, vector<1x1x16xf32>,
        %get3A_284 = vector.shape_cast %get3A_283 : vector<1x1x16xf32> to vector<16xf32>
        %add3A_285 = arith.addf %add3A_278, %get3A_284 : vector<16xf32>
        %swap3A_286 = arith.constant 0 : i32
        %swap3A_287 = arith.index_cast %swap3A_286 : i32 to index
        %swap3A_288 = arith.index_cast %scan3A_213 : i32 to index
        %swap3A_289 = arith.constant 32 : index
        %swap3A_290 = tpu.vector_load %arg15[%swap3A_287, %swap3A_288, %swap3A_289] {strides = array<i32>} : memref<2x128x64xf32, #tpu.memory_space<vmem>>, vector<1x1x16xf32>,
        %swap3A_291 = vector.shape_cast %swap3A_290 : vector<1x1x16xf32> to vector<16xf32>
        %swap3A_292 = vector.shape_cast %add3A_285 : vector<16xf32> to vector<1x1x16xf32>
        tpu.vector_store %arg15[%swap3A_287, %swap3A_288, %swap3A_289], %swap3A_292 {strides = array<i32>} : memref<2x128x64xf32, #tpu.memory_space<vmem>>, vector<1x1x16xf32>,
        %get3A_293 = arith.constant 0 : i32
        %get3A_294 = arith.index_cast %get3A_293 : i32 to index
        %get3A_295 = arith.index_cast %scan3A_213 : i32 to index
        %get3A_296 = arith.constant 48 : index
        %get3A_297 = tpu.vector_load %arg12[%get3A_294, %get3A_295, %get3A_296] {strides = array<i32>} : memref<2x128x64xf32, #tpu.memory_space<vmem>>, vector<1x1x16xf32>,
        %get3A_298 = vector.shape_cast %get3A_297 : vector<1x1x16xf32> to vector<16xf32>
        %get3A_299 = arith.constant 0 : i32
        %get3A_300 = arith.index_cast %get3A_299 : i32 to index
        %get3A_301 = arith.index_cast %scan3A_213 : i32 to index
        %get3A_302 = arith.constant 48 : index
        %get3A_303 = tpu.vector_load %arg13[%get3A_300, %get3A_301, %get3A_302] {strides = array<i32>} : memref<2x128x64xf32, #tpu.memory_space<vmem>>, vector<1x1x16xf32>,
        %get3A_304 = vector.shape_cast %get3A_303 : vector<1x1x16xf32> to vector<16xf32>
        %add3A_305 = arith.addf %get3A_298, %get3A_304 : vector<16xf32>
        %get3A_306 = arith.constant 0 : i32
        %get3A_307 = arith.index_cast %get3A_306 : i32 to index
        %get3A_308 = arith.index_cast %scan3A_213 : i32 to index
        %get3A_309 = arith.constant 48 : index
        %get3A_310 = tpu.vector_load %arg14[%get3A_307, %get3A_308, %get3A_309] {strides = array<i32>} : memref<2x128x64xf32, #tpu.memory_space<vmem>>, vector<1x1x16xf32>,
        %get3A_311 = vector.shape_cast %get3A_310 : vector<1x1x16xf32> to vector<16xf32>
        %add3A_312 = arith.addf %add3A_305, %get3A_311 : vector<16xf32>
        %swap3A_313 = arith.constant 0 : i32
        %swap3A_314 = arith.index_cast %swap3A_313 : i32 to index
        %swap3A_315 = arith.index_cast %scan3A_213 : i32 to index
        %swap3A_316 = arith.constant 48 : index
        %swap3A_317 = tpu.vector_load %arg15[%swap3A_314, %swap3A_315, %swap3A_316] {strides = array<i32>} : memref<2x128x64xf32, #tpu.memory_space<vmem>>, vector<1x1x16xf32>,
        %swap3A_318 = vector.shape_cast %swap3A_317 : vector<1x1x16xf32> to vector<16xf32>
        %swap3A_319 = vector.shape_cast %add3A_312 : vector<16xf32> to vector<1x1x16xf32>
        tpu.vector_store %arg15[%swap3A_314, %swap3A_315, %swap3A_316], %swap3A_319 {strides = array<i32>} : memref<2x128x64xf32, #tpu.memory_space<vmem>>, vector<1x1x16xf32>,
      }
      %scan3A_136 = arith.constant 128 : i32
      %mul3A_137 = arith.constant 2 : i32
      %mul3A_138 = arith.muli %mul3A_137, %scan3A_64 : i32
      %dma_start3A_139 = arith.constant 0 : i32
      %dma_start3A_140 = arith.constant 0 : i32
      %dma_start3A_141 = arith.constant 0 : i32
      %dma_start3A_142 = tpu.memref_slice %arg15[%dma_start3A_139, %dma_start3A_140, %dma_start3A_141] : memref<2x128x64xf32, #tpu.memory_space<vmem>> -> memref<1x128x64xf32, #tpu.memory_space<vmem>>
      %dma_start3A_143 = tpu.memref_squeeze %dma_start3A_142 : memref<1x128x64xf32, #tpu.memory_space<vmem>> -> memref<128x64xf32, #tpu.memory_space<vmem>>
      %dma_start3A_144 = arith.constant 0 : i32
      %dma_start3A_145 = tpu.memref_slice %arg11[%mul3A_138, %dma_start3A_144] : memref<50x128xi32, #tpu.memory_space<vmem>> -> memref<1x128xi32, #tpu.memory_space<vmem>>
      %dma_start3A_146 = tpu.memref_squeeze %dma_start3A_145 : memref<1x128xi32, #tpu.memory_space<vmem>> -> memref<128xi32, #tpu.memory_space<vmem>>
      %dma_start3A_147 = arith.constant 0 : i32
      %dma_start3A_148 = arith.constant 0 : i32
      %dma_start3A_149 = tpu.memref_slice %arg7[%dma_start3A_147, %dma_start3A_148] : memref<204800x64xf32, #tpu.memory_space<hbm>> -> memref<204800x64xf32, #tpu.memory_space<hbm>>
      tpu.enqueue_indirect_dma source(%dma_start3A_143 : memref<128x64xf32, #tpu.memory_space<vmem>>) target(%dma_start3A_149 : memref<204800x64xf32, #tpu.memory_space<hbm>>) offsets(%dma_start3A_146 : memref<128xi32, #tpu.memory_space<vmem>>) semaphore(%arg18 : memref<!tpu.dma_semaphore, #tpu.memory_space<semaphore_mem>>)
      %lt3A = arith.constant 24 : i32
      %lt3A_150 = arith.cmpi slt, %scan3A_64, %lt3A : i32
      %convert_element_type3A_151 = arith.extui %lt3A_150 : i1 to i32
      %cond3A_152 = arith.constant 0 : i32
      %cond3A_153 = arith.cmpi ne, %convert_element_type3A_151, %cond3A_152 : i32
      scf.if %cond3A_153 {
        %mul3A_213 = arith.constant 2 : i32
        %mul3A_214 = arith.muli %mul3A_213, %scan3A_64 : i32
        %add3A_215 = arith.constant 2 : i32
        %add3A_216 = arith.addi %mul3A_214, %add3A_215 : i32
        %mul3A_217 = arith.constant 128 : i32
        %mul3A_218 = arith.muli %add3A_216, %mul3A_217 : i32
        %dma_start3A_219 = arith.constant 0 : i32
        %dma_start3A_220 = arith.constant 0 : i32
        %dma_start3A_221 = arith.constant 0 : i32
        %dma_start3A_222 = tpu.memref_slice %arg12[%dma_start3A_219, %dma_start3A_220, %dma_start3A_221] : memref<2x128x64xf32, #tpu.memory_space<vmem>> -> memref<1x128x64xf32, #tpu.memory_space<vmem>>
        %dma_start3A_223 = tpu.memref_squeeze %dma_start3A_222 : memref<1x128x64xf32, #tpu.memory_space<vmem>> -> memref<128x64xf32, #tpu.memory_space<vmem>>
        %dma_start3A_224 = tpu.memref_slice %arg8[%mul3A_218] : memref<6400xi32, #tpu.memory_space<vmem>> -> memref<128xi32, #tpu.memory_space<vmem>>
        %dma_start3A_225 = arith.constant 0 : i32
        %dma_start3A_226 = arith.constant 0 : i32
        %dma_start3A_227 = tpu.memref_slice %arg4[%dma_start3A_225, %dma_start3A_226] : memref<100096x64xf32, #tpu.memory_space<hbm>> -> memref<100096x64xf32, #tpu.memory_space<hbm>>
        tpu.enqueue_indirect_dma source(%dma_start3A_227 : memref<100096x64xf32, #tpu.memory_space<hbm>>) target(%dma_start3A_223 : memref<128x64xf32, #tpu.memory_space<vmem>>) offsets(%dma_start3A_224 : memref<128xi32, #tpu.memory_space<vmem>>) semaphore(%arg16 : memref<!tpu.dma_semaphore, #tpu.memory_space<semaphore_mem>>)
        %dma_start3A_228 = arith.constant 0 : i32
        %dma_start3A_229 = arith.constant 0 : i32
        %dma_start3A_230 = arith.constant 0 : i32
        %dma_start3A_231 = tpu.memref_slice %arg13[%dma_start3A_228, %dma_start3A_229, %dma_start3A_230] : memref<2x128x64xf32, #tpu.memory_space<vmem>> -> memref<1x128x64xf32, #tpu.memory_space<vmem>>
        %dma_start3A_232 = tpu.memref_squeeze %dma_start3A_231 : memref<1x128x64xf32, #tpu.memory_space<vmem>> -> memref<128x64xf32, #tpu.memory_space<vmem>>
        %dma_start3A_233 = tpu.memref_slice %arg9[%mul3A_218] : memref<6400xi32, #tpu.memory_space<vmem>> -> memref<128xi32, #tpu.memory_space<vmem>>
        %dma_start3A_234 = arith.constant 0 : i32
        %dma_start3A_235 = arith.constant 0 : i32
        %dma_start3A_236 = tpu.memref_slice %arg5[%dma_start3A_234, %dma_start3A_235] : memref<100096x64xf32, #tpu.memory_space<hbm>> -> memref<100096x64xf32, #tpu.memory_space<hbm>>
        tpu.enqueue_indirect_dma source(%dma_start3A_236 : memref<100096x64xf32, #tpu.memory_space<hbm>>) target(%dma_start3A_232 : memref<128x64xf32, #tpu.memory_space<vmem>>) offsets(%dma_start3A_233 : memref<128xi32, #tpu.memory_space<vmem>>) semaphore(%arg16 : memref<!tpu.dma_semaphore, #tpu.memory_space<semaphore_mem>>)
        %dma_start3A_237 = arith.constant 0 : i32
        %dma_start3A_238 = arith.constant 0 : i32
        %dma_start3A_239 = arith.constant 0 : i32
        %dma_start3A_240 = tpu.memref_slice %arg14[%dma_start3A_237, %dma_start3A_238, %dma_start3A_239] : memref<2x128x64xf32, #tpu.memory_space<vmem>> -> memref<1x128x64xf32, #tpu.memory_space<vmem>>
        %dma_start3A_241 = tpu.memref_squeeze %dma_start3A_240 : memref<1x128x64xf32, #tpu.memory_space<vmem>> -> memref<128x64xf32, #tpu.memory_space<vmem>>
        %dma_start3A_242 = tpu.memref_slice %arg10[%mul3A_218] : memref<6400xi32, #tpu.memory_space<vmem>> -> memref<128xi32, #tpu.memory_space<vmem>>
        %dma_start3A_243 = arith.constant 0 : i32
        %dma_start3A_244 = arith.constant 0 : i32
        %dma_start3A_245 = tpu.memref_slice %arg6[%dma_start3A_243, %dma_start3A_244] : memref<100096x64xf32, #tpu.memory_space<hbm>> -> memref<100096x64xf32, #tpu.memory_space<hbm>>
        tpu.enqueue_indirect_dma source(%dma_start3A_245 : memref<100096x64xf32, #tpu.memory_space<hbm>>) target(%dma_start3A_241 : memref<128x64xf32, #tpu.memory_space<vmem>>) offsets(%dma_start3A_242 : memref<128xi32, #tpu.memory_space<vmem>>) semaphore(%arg16 : memref<!tpu.dma_semaphore, #tpu.memory_space<semaphore_mem>>)
      } else {
      }
      %mul3A_154 = arith.constant 2 : i32
      %mul3A_155 = arith.muli %mul3A_154, %scan3A_64 : i32
      %add3A_156 = arith.constant 1 : i32
      %add3A_157 = arith.addi %mul3A_155, %add3A_156 : i32
      %mul3A_158 = arith.constant 128 : i32
      %mul3A_159 = arith.muli %add3A_157, %mul3A_158 : i32
      %dma_wait3A_160 = arith.constant 1 : i32
      %dma_wait3A_161 = arith.constant 0 : i32
      %dma_wait3A_162 = arith.constant 0 : i32
      %dma_wait3A_163 = tpu.memref_slice %arg12[%dma_wait3A_160, %dma_wait3A_161, %dma_wait3A_162] : memref<2x128x64xf32, #tpu.memory_space<vmem>> -> memref<1x128x64xf32, #tpu.memory_space<vmem>>
      %dma_wait3A_164 = tpu.memref_squeeze %dma_wait3A_163 : memref<1x128x64xf32, #tpu.memory_space<vmem>> -> memref<128x64xf32, #tpu.memory_space<vmem>>
      %dma_wait3A_165 = tpu.memref_slice %arg8[%mul3A_159] : memref<6400xi32, #tpu.memory_space<vmem>> -> memref<128xi32, #tpu.memory_space<vmem>>
      %dma_wait3A_166 = arith.constant 0 : i32
      %dma_wait3A_167 = arith.constant 0 : i32
      %dma_wait3A_168 = tpu.memref_slice %arg4[%dma_wait3A_166, %dma_wait3A_167] : memref<100096x64xf32, #tpu.memory_space<hbm>> -> memref<100096x64xf32, #tpu.memory_space<hbm>>
      tpu.wait_indirect_dma semaphore(%arg17 : memref<!tpu.dma_semaphore, #tpu.memory_space<semaphore_mem>>) src(%dma_wait3A_168 : memref<100096x64xf32, #tpu.memory_space<hbm>>) dst(%dma_wait3A_164 : memref<128x64xf32, #tpu.memory_space<vmem>>)
      %dma_wait3A_169 = arith.constant 1 : i32
      %dma_wait3A_170 = arith.constant 0 : i32
      %dma_wait3A_171 = arith.constant 0 : i32
      %dma_wait3A_172 = tpu.memref_slice %arg13[%dma_wait3A_169, %dma_wait3A_170, %dma_wait3A_171] : memref<2x128x64xf32, #tpu.memory_space<vmem>> -> memref<1x128x64xf32, #tpu.memory_space<vmem>>
      %dma_wait3A_173 = tpu.memref_squeeze %dma_wait3A_172 : memref<1x128x64xf32, #tpu.memory_space<vmem>> -> memref<128x64xf32, #tpu.memory_space<vmem>>
      %dma_wait3A_174 = tpu.memref_slice %arg9[%mul3A_159] : memref<6400xi32, #tpu.memory_space<vmem>> -> memref<128xi32, #tpu.memory_space<vmem>>
      %dma_wait3A_175 = arith.constant 0 : i32
      %dma_wait3A_176 = arith.constant 0 : i32
      %dma_wait3A_177 = tpu.memref_slice %arg5[%dma_wait3A_175, %dma_wait3A_176] : memref<100096x64xf32, #tpu.memory_space<hbm>> -> memref<100096x64xf32, #tpu.memory_space<hbm>>
      tpu.wait_indirect_dma semaphore(%arg17 : memref<!tpu.dma_semaphore, #tpu.memory_space<semaphore_mem>>) src(%dma_wait3A_177 : memref<100096x64xf32, #tpu.memory_space<hbm>>) dst(%dma_wait3A_173 : memref<128x64xf32, #tpu.memory_space<vmem>>)
      %dma_wait3A_178 = arith.constant 1 : i32
      %dma_wait3A_179 = arith.constant 0 : i32
      %dma_wait3A_180 = arith.constant 0 : i32
      %dma_wait3A_181 = tpu.memref_slice %arg14[%dma_wait3A_178, %dma_wait3A_179, %dma_wait3A_180] : memref<2x128x64xf32, #tpu.memory_space<vmem>> -> memref<1x128x64xf32, #tpu.memory_space<vmem>>
      %dma_wait3A_182 = tpu.memref_squeeze %dma_wait3A_181 : memref<1x128x64xf32, #tpu.memory_space<vmem>> -> memref<128x64xf32, #tpu.memory_space<vmem>>
      %dma_wait3A_183 = tpu.memref_slice %arg10[%mul3A_159] : memref<6400xi32, #tpu.memory_space<vmem>> -> memref<128xi32, #tpu.memory_space<vmem>>
      %dma_wait3A_184 = arith.constant 0 : i32
      %dma_wait3A_185 = arith.constant 0 : i32
      %dma_wait3A_186 = tpu.memref_slice %arg6[%dma_wait3A_184, %dma_wait3A_185] : memref<100096x64xf32, #tpu.memory_space<hbm>> -> memref<100096x64xf32, #tpu.memory_space<hbm>>
      tpu.wait_indirect_dma semaphore(%arg17 : memref<!tpu.dma_semaphore, #tpu.memory_space<semaphore_mem>>) src(%dma_wait3A_186 : memref<100096x64xf32, #tpu.memory_space<hbm>>) dst(%dma_wait3A_182 : memref<128x64xf32, #tpu.memory_space<vmem>>)
      %gt3A_187 = arith.constant 0 : i32
      %gt3A_188 = arith.cmpi sgt, %scan3A_64, %gt3A_187 : i32
      %convert_element_type3A_189 = arith.extui %gt3A_188 : i1 to i32
      %cond3A_190 = arith.constant 0 : i32
      %cond3A_191 = arith.cmpi ne, %convert_element_type3A_189, %cond3A_190 : i32
      scf.if %cond3A_191 {
        %mul3A_213 = arith.constant 2 : i32
        %mul3A_214 = arith.muli %mul3A_213, %scan3A_64 : i32
        %sub3A = arith.constant 1 : i32
        %sub3A_215 = arith.subi %mul3A_214, %sub3A : i32
        %dma_wait3A_216 = arith.constant 1 : i32
        %dma_wait3A_217 = arith.constant 0 : i32
        %dma_wait3A_218 = arith.constant 0 : i32
        %dma_wait3A_219 = tpu.memref_slice %arg15[%dma_wait3A_216, %dma_wait3A_217, %dma_wait3A_218] : memref<2x128x64xf32, #tpu.memory_space<vmem>> -> memref<1x128x64xf32, #tpu.memory_space<vmem>>
        %dma_wait3A_220 = tpu.memref_squeeze %dma_wait3A_219 : memref<1x128x64xf32, #tpu.memory_space<vmem>> -> memref<128x64xf32, #tpu.memory_space<vmem>>
        %dma_wait3A_221 = arith.constant 0 : i32
        %dma_wait3A_222 = tpu.memref_slice %arg11[%sub3A_215, %dma_wait3A_221] : memref<50x128xi32, #tpu.memory_space<vmem>> -> memref<1x128xi32, #tpu.memory_space<vmem>>
        %dma_wait3A_223 = tpu.memref_squeeze %dma_wait3A_222 : memref<1x128xi32, #tpu.memory_space<vmem>> -> memref<128xi32, #tpu.memory_space<vmem>>
        %dma_wait3A_224 = arith.constant 0 : i32
        %dma_wait3A_225 = arith.constant 0 : i32
        %dma_wait3A_226 = tpu.memref_slice %arg7[%dma_wait3A_224, %dma_wait3A_225] : memref<204800x64xf32, #tpu.memory_space<hbm>> -> memref<204800x64xf32, #tpu.memory_space<hbm>>
        tpu.wait_indirect_dma semaphore(%arg19 : memref<!tpu.dma_semaphore, #tpu.memory_space<semaphore_mem>>) src(%dma_wait3A_220 : memref<128x64xf32, #tpu.memory_space<vmem>>) dst(%dma_wait3A_226 : memref<204800x64xf32, #tpu.memory_space<hbm>>)
      } else {
      }
      %scan3A_192 = arith.constant 0 : i32
      %scan3A_193 = arith.constant 0 : i32
      %scan3A_194 = arith.constant 128 : i32
      %scan3A_195 = arith.addi %scan3A_193, %scan3A_194 : i32
      %scan3A_196 = arith.constant 1 : i32
      scf.for %scan3A_213 = %scan3A_193 to %scan3A_195 step %scan3A_196  : i32 {
        %get3A = arith.constant 1 : i32
        %get3A_214 = arith.index_cast %get3A : i32 to index
        %get3A_215 = arith.index_cast %scan3A_213 : i32 to index
        %get3A_216 = arith.constant 0 : index
        %get3A_217 = tpu.vector_load %arg12[%get3A_214, %get3A_215, %get3A_216] {strides = array<i32>} : memref<2x128x64xf32, #tpu.memory_space<vmem>>, vector<1x1x16xf32>,
        %get3A_218 = vector.shape_cast %get3A_217 : vector<1x1x16xf32> to vector<16xf32>
        %get3A_219 = arith.constant 1 : i32
        %get3A_220 = arith.index_cast %get3A_219 : i32 to index
        %get3A_221 = arith.index_cast %scan3A_213 : i32 to index
        %get3A_222 = arith.constant 0 : index
        %get3A_223 = tpu.vector_load %arg13[%get3A_220, %get3A_221, %get3A_222] {strides = array<i32>} : memref<2x128x64xf32, #tpu.memory_space<vmem>>, vector<1x1x16xf32>,
        %get3A_224 = vector.shape_cast %get3A_223 : vector<1x1x16xf32> to vector<16xf32>
        %add3A_225 = arith.addf %get3A_218, %get3A_224 : vector<16xf32>
        %get3A_226 = arith.constant 1 : i32
        %get3A_227 = arith.index_cast %get3A_226 : i32 to index
        %get3A_228 = arith.index_cast %scan3A_213 : i32 to index
        %get3A_229 = arith.constant 0 : index
        %get3A_230 = tpu.vector_load %arg14[%get3A_227, %get3A_228, %get3A_229] {strides = array<i32>} : memref<2x128x64xf32, #tpu.memory_space<vmem>>, vector<1x1x16xf32>,
        %get3A_231 = vector.shape_cast %get3A_230 : vector<1x1x16xf32> to vector<16xf32>
        %add3A_232 = arith.addf %add3A_225, %get3A_231 : vector<16xf32>
        %swap3A = arith.constant 1 : i32
        %swap3A_233 = arith.index_cast %swap3A : i32 to index
        %swap3A_234 = arith.index_cast %scan3A_213 : i32 to index
        %swap3A_235 = arith.constant 0 : index
        %swap3A_236 = tpu.vector_load %arg15[%swap3A_233, %swap3A_234, %swap3A_235] {strides = array<i32>} : memref<2x128x64xf32, #tpu.memory_space<vmem>>, vector<1x1x16xf32>,
        %swap3A_237 = vector.shape_cast %swap3A_236 : vector<1x1x16xf32> to vector<16xf32>
        %swap3A_238 = vector.shape_cast %add3A_232 : vector<16xf32> to vector<1x1x16xf32>
        tpu.vector_store %arg15[%swap3A_233, %swap3A_234, %swap3A_235], %swap3A_238 {strides = array<i32>} : memref<2x128x64xf32, #tpu.memory_space<vmem>>, vector<1x1x16xf32>,
        %get3A_239 = arith.constant 1 : i32
        %get3A_240 = arith.index_cast %get3A_239 : i32 to index
        %get3A_241 = arith.index_cast %scan3A_213 : i32 to index
        %get3A_242 = arith.constant 16 : index
        %get3A_243 = tpu.vector_load %arg12[%get3A_240, %get3A_241, %get3A_242] {strides = array<i32>} : memref<2x128x64xf32, #tpu.memory_space<vmem>>, vector<1x1x16xf32>,
        %get3A_244 = vector.shape_cast %get3A_243 : vector<1x1x16xf32> to vector<16xf32>
        %get3A_245 = arith.constant 1 : i32
        %get3A_246 = arith.index_cast %get3A_245 : i32 to index
        %get3A_247 = arith.index_cast %scan3A_213 : i32 to index
        %get3A_248 = arith.constant 16 : index
        %get3A_249 = tpu.vector_load %arg13[%get3A_246, %get3A_247, %get3A_248] {strides = array<i32>} : memref<2x128x64xf32, #tpu.memory_space<vmem>>, vector<1x1x16xf32>,
        %get3A_250 = vector.shape_cast %get3A_249 : vector<1x1x16xf32> to vector<16xf32>
        %add3A_251 = arith.addf %get3A_244, %get3A_250 : vector<16xf32>
        %get3A_252 = arith.constant 1 : i32
        %get3A_253 = arith.index_cast %get3A_252 : i32 to index
        %get3A_254 = arith.index_cast %scan3A_213 : i32 to index
        %get3A_255 = arith.constant 16 : index
        %get3A_256 = tpu.vector_load %arg14[%get3A_253, %get3A_254, %get3A_255] {strides = array<i32>} : memref<2x128x64xf32, #tpu.memory_space<vmem>>, vector<1x1x16xf32>,
        %get3A_257 = vector.shape_cast %get3A_256 : vector<1x1x16xf32> to vector<16xf32>
        %add3A_258 = arith.addf %add3A_251, %get3A_257 : vector<16xf32>
        %swap3A_259 = arith.constant 1 : i32
        %swap3A_260 = arith.index_cast %swap3A_259 : i32 to index
        %swap3A_261 = arith.index_cast %scan3A_213 : i32 to index
        %swap3A_262 = arith.constant 16 : index
        %swap3A_263 = tpu.vector_load %arg15[%swap3A_260, %swap3A_261, %swap3A_262] {strides = array<i32>} : memref<2x128x64xf32, #tpu.memory_space<vmem>>, vector<1x1x16xf32>,
        %swap3A_264 = vector.shape_cast %swap3A_263 : vector<1x1x16xf32> to vector<16xf32>
        %swap3A_265 = vector.shape_cast %add3A_258 : vector<16xf32> to vector<1x1x16xf32>
        tpu.vector_store %arg15[%swap3A_260, %swap3A_261, %swap3A_262], %swap3A_265 {strides = array<i32>} : memref<2x128x64xf32, #tpu.memory_space<vmem>>, vector<1x1x16xf32>,
        %get3A_266 = arith.constant 1 : i32
        %get3A_267 = arith.index_cast %get3A_266 : i32 to index
        %get3A_268 = arith.index_cast %scan3A_213 : i32 to index
        %get3A_269 = arith.constant 32 : index
        %get3A_270 = tpu.vector_load %arg12[%get3A_267, %get3A_268, %get3A_269] {strides = array<i32>} : memref<2x128x64xf32, #tpu.memory_space<vmem>>, vector<1x1x16xf32>,
        %get3A_271 = vector.shape_cast %get3A_270 : vector<1x1x16xf32> to vector<16xf32>
        %get3A_272 = arith.constant 1 : i32
        %get3A_273 = arith.index_cast %get3A_272 : i32 to index
        %get3A_274 = arith.index_cast %scan3A_213 : i32 to index
        %get3A_275 = arith.constant 32 : index
        %get3A_276 = tpu.vector_load %arg13[%get3A_273, %get3A_274, %get3A_275] {strides = array<i32>} : memref<2x128x64xf32, #tpu.memory_space<vmem>>, vector<1x1x16xf32>,
        %get3A_277 = vector.shape_cast %get3A_276 : vector<1x1x16xf32> to vector<16xf32>
        %add3A_278 = arith.addf %get3A_271, %get3A_277 : vector<16xf32>
        %get3A_279 = arith.constant 1 : i32
        %get3A_280 = arith.index_cast %get3A_279 : i32 to index
        %get3A_281 = arith.index_cast %scan3A_213 : i32 to index
        %get3A_282 = arith.constant 32 : index
        %get3A_283 = tpu.vector_load %arg14[%get3A_280, %get3A_281, %get3A_282] {strides = array<i32>} : memref<2x128x64xf32, #tpu.memory_space<vmem>>, vector<1x1x16xf32>,
        %get3A_284 = vector.shape_cast %get3A_283 : vector<1x1x16xf32> to vector<16xf32>
        %add3A_285 = arith.addf %add3A_278, %get3A_284 : vector<16xf32>
        %swap3A_286 = arith.constant 1 : i32
        %swap3A_287 = arith.index_cast %swap3A_286 : i32 to index
        %swap3A_288 = arith.index_cast %scan3A_213 : i32 to index
        %swap3A_289 = arith.constant 32 : index
        %swap3A_290 = tpu.vector_load %arg15[%swap3A_287, %swap3A_288, %swap3A_289] {strides = array<i32>} : memref<2x128x64xf32, #tpu.memory_space<vmem>>, vector<1x1x16xf32>,
        %swap3A_291 = vector.shape_cast %swap3A_290 : vector<1x1x16xf32> to vector<16xf32>
        %swap3A_292 = vector.shape_cast %add3A_285 : vector<16xf32> to vector<1x1x16xf32>
        tpu.vector_store %arg15[%swap3A_287, %swap3A_288, %swap3A_289], %swap3A_292 {strides = array<i32>} : memref<2x128x64xf32, #tpu.memory_space<vmem>>, vector<1x1x16xf32>,
        %get3A_293 = arith.constant 1 : i32
        %get3A_294 = arith.index_cast %get3A_293 : i32 to index
        %get3A_295 = arith.index_cast %scan3A_213 : i32 to index
        %get3A_296 = arith.constant 48 : index
        %get3A_297 = tpu.vector_load %arg12[%get3A_294, %get3A_295, %get3A_296] {strides = array<i32>} : memref<2x128x64xf32, #tpu.memory_space<vmem>>, vector<1x1x16xf32>,
        %get3A_298 = vector.shape_cast %get3A_297 : vector<1x1x16xf32> to vector<16xf32>
        %get3A_299 = arith.constant 1 : i32
        %get3A_300 = arith.index_cast %get3A_299 : i32 to index
        %get3A_301 = arith.index_cast %scan3A_213 : i32 to index
        %get3A_302 = arith.constant 48 : index
        %get3A_303 = tpu.vector_load %arg13[%get3A_300, %get3A_301, %get3A_302] {strides = array<i32>} : memref<2x128x64xf32, #tpu.memory_space<vmem>>, vector<1x1x16xf32>,
        %get3A_304 = vector.shape_cast %get3A_303 : vector<1x1x16xf32> to vector<16xf32>
        %add3A_305 = arith.addf %get3A_298, %get3A_304 : vector<16xf32>
        %get3A_306 = arith.constant 1 : i32
        %get3A_307 = arith.index_cast %get3A_306 : i32 to index
        %get3A_308 = arith.index_cast %scan3A_213 : i32 to index
        %get3A_309 = arith.constant 48 : index
        %get3A_310 = tpu.vector_load %arg14[%get3A_307, %get3A_308, %get3A_309] {strides = array<i32>} : memref<2x128x64xf32, #tpu.memory_space<vmem>>, vector<1x1x16xf32>,
        %get3A_311 = vector.shape_cast %get3A_310 : vector<1x1x16xf32> to vector<16xf32>
        %add3A_312 = arith.addf %add3A_305, %get3A_311 : vector<16xf32>
        %swap3A_313 = arith.constant 1 : i32
        %swap3A_314 = arith.index_cast %swap3A_313 : i32 to index
        %swap3A_315 = arith.index_cast %scan3A_213 : i32 to index
        %swap3A_316 = arith.constant 48 : index
        %swap3A_317 = tpu.vector_load %arg15[%swap3A_314, %swap3A_315, %swap3A_316] {strides = array<i32>} : memref<2x128x64xf32, #tpu.memory_space<vmem>>, vector<1x1x16xf32>,
        %swap3A_318 = vector.shape_cast %swap3A_317 : vector<1x1x16xf32> to vector<16xf32>
        %swap3A_319 = vector.shape_cast %add3A_312 : vector<16xf32> to vector<1x1x16xf32>
        tpu.vector_store %arg15[%swap3A_314, %swap3A_315, %swap3A_316], %swap3A_319 {strides = array<i32>} : memref<2x128x64xf32, #tpu.memory_space<vmem>>, vector<1x1x16xf32>,
      }
      %scan3A_197 = arith.constant 128 : i32
      %mul3A_198 = arith.constant 2 : i32
      %mul3A_199 = arith.muli %mul3A_198, %scan3A_64 : i32
      %add3A_200 = arith.constant 1 : i32
      %add3A_201 = arith.addi %mul3A_199, %add3A_200 : i32
      %dma_start3A_202 = arith.constant 1 : i32
      %dma_start3A_203 = arith.constant 0 : i32
      %dma_start3A_204 = arith.constant 0 : i32
      %dma_start3A_205 = tpu.memref_slice %arg15[%dma_start3A_202, %dma_start3A_203, %dma_start3A_204] : memref<2x128x64xf32, #tpu.memory_space<vmem>> -> memref<1x128x64xf32, #tpu.memory_space<vmem>>
      %dma_start3A_206 = tpu.memref_squeeze %dma_start3A_205 : memref<1x128x64xf32, #tpu.memory_space<vmem>> -> memref<128x64xf32, #tpu.memory_space<vmem>>
      %dma_start3A_207 = arith.constant 0 : i32
      %dma_start3A_208 = tpu.memref_slice %arg11[%add3A_201, %dma_start3A_207] : memref<50x128xi32, #tpu.memory_space<vmem>> -> memref<1x128xi32, #tpu.memory_space<vmem>>
      %dma_start3A_209 = tpu.memref_squeeze %dma_start3A_208 : memref<1x128xi32, #tpu.memory_space<vmem>> -> memref<128xi32, #tpu.memory_space<vmem>>
      %dma_start3A_210 = arith.constant 0 : i32
      %dma_start3A_211 = arith.constant 0 : i32
      %dma_start3A_212 = tpu.memref_slice %arg7[%dma_start3A_210, %dma_start3A_211] : memref<204800x64xf32, #tpu.memory_space<hbm>> -> memref<204800x64xf32, #tpu.memory_space<hbm>>
      tpu.enqueue_indirect_dma source(%dma_start3A_206 : memref<128x64xf32, #tpu.memory_space<vmem>>) target(%dma_start3A_212 : memref<204800x64xf32, #tpu.memory_space<hbm>>) offsets(%dma_start3A_209 : memref<128xi32, #tpu.memory_space<vmem>>) semaphore(%arg19 : memref<!tpu.dma_semaphore, #tpu.memory_space<semaphore_mem>>)
    }
    %scan3A_40 = arith.constant 25 : i32
    %dma_wait3A = arith.constant 0 : i32
    %dma_wait3A_41 = arith.constant 48 : i32
    %dma_wait3A_42 = arith.constant 0 : i32
    %dma_wait3A_43 = arith.constant 0 : i32
    %dma_wait3A_44 = tpu.memref_slice %arg15[%dma_wait3A, %dma_wait3A_42, %dma_wait3A_43] : memref<2x128x64xf32, #tpu.memory_space<vmem>> -> memref<1x128x64xf32, #tpu.memory_space<vmem>>
    %dma_wait3A_45 = tpu.memref_squeeze %dma_wait3A_44 : memref<1x128x64xf32, #tpu.memory_space<vmem>> -> memref<128x64xf32, #tpu.memory_space<vmem>>
    %dma_wait3A_46 = arith.constant 0 : i32
    %dma_wait3A_47 = tpu.memref_slice %arg11[%dma_wait3A_41, %dma_wait3A_46] : memref<50x128xi32, #tpu.memory_space<vmem>> -> memref<1x128xi32, #tpu.memory_space<vmem>>
    %dma_wait3A_48 = tpu.memref_squeeze %dma_wait3A_47 : memref<1x128xi32, #tpu.memory_space<vmem>> -> memref<128xi32, #tpu.memory_space<vmem>>
    %dma_wait3A_49 = arith.constant 0 : i32
    %dma_wait3A_50 = arith.constant 0 : i32
    %dma_wait3A_51 = tpu.memref_slice %arg7[%dma_wait3A_49, %dma_wait3A_50] : memref<204800x64xf32, #tpu.memory_space<hbm>> -> memref<204800x64xf32, #tpu.memory_space<hbm>>
    tpu.wait_indirect_dma semaphore(%arg18 : memref<!tpu.dma_semaphore, #tpu.memory_space<semaphore_mem>>) src(%dma_wait3A_45 : memref<128x64xf32, #tpu.memory_space<vmem>>) dst(%dma_wait3A_51 : memref<204800x64xf32, #tpu.memory_space<hbm>>)
    %dma_wait3A_52 = arith.constant 1 : i32
    %dma_wait3A_53 = arith.constant 49 : i32
    %dma_wait3A_54 = arith.constant 0 : i32
    %dma_wait3A_55 = arith.constant 0 : i32
    %dma_wait3A_56 = tpu.memref_slice %arg15[%dma_wait3A_52, %dma_wait3A_54, %dma_wait3A_55] : memref<2x128x64xf32, #tpu.memory_space<vmem>> -> memref<1x128x64xf32, #tpu.memory_space<vmem>>
    %dma_wait3A_57 = tpu.memref_squeeze %dma_wait3A_56 : memref<1x128x64xf32, #tpu.memory_space<vmem>> -> memref<128x64xf32, #tpu.memory_space<vmem>>
    %dma_wait3A_58 = arith.constant 0 : i32
    %dma_wait3A_59 = tpu.memref_slice %arg11[%dma_wait3A_53, %dma_wait3A_58] : memref<50x128xi32, #tpu.memory_space<vmem>> -> memref<1x128xi32, #tpu.memory_space<vmem>>
    %dma_wait3A_60 = tpu.memref_squeeze %dma_wait3A_59 : memref<1x128xi32, #tpu.memory_space<vmem>> -> memref<128xi32, #tpu.memory_space<vmem>>
    %dma_wait3A_61 = arith.constant 0 : i32
    %dma_wait3A_62 = arith.constant 0 : i32
    %dma_wait3A_63 = tpu.memref_slice %arg7[%dma_wait3A_61, %dma_wait3A_62] : memref<204800x64xf32, #tpu.memory_space<hbm>> -> memref<204800x64xf32, #tpu.memory_space<hbm>>
    tpu.wait_indirect_dma semaphore(%arg19 : memref<!tpu.dma_semaphore, #tpu.memory_space<semaphore_mem>>) src(%dma_wait3A_57 : memref<128x64xf32, #tpu.memory_space<vmem>>) dst(%dma_wait3A_63 : memref<204800x64xf32, #tpu.memory_space<hbm>>)
    return
  }
}

module attributes {stable_mosaic.version = 14 : i64} {
  func.func @_tr_body(%arg0: i32, %arg1: memref<64x2944xf32, #tpu.memory_space<vmem>>, %arg2: memref<64x2944xf32, #tpu.memory_space<vmem>>, %arg3: memref<64x2944xf32, #tpu.memory_space<vmem>>, %arg4: memref<64x2944xf32, #tpu.memory_space<vmem>>, %arg5: memref<64x2944xf32, #tpu.memory_space<vmem>>, %arg6: memref<64x2944xf32, #tpu.memory_space<vmem>>, %arg7: memref<64x64xf32, #tpu.memory_space<vmem>>, %arg8: memref<2944x128xf32, #tpu.memory_space<vmem>>, %arg9: memref<2944x128xf32, #tpu.memory_space<vmem>>, %arg10: memref<2944x128xf32, #tpu.memory_space<vmem>>) attributes {dimension_semantics = [#tpu.dimension_semantics<arbitrary>], iteration_bounds = array<i64: 17>, scalar_prefetch = 0 : i64, scratch_operands = 0 : i64, tpu.core_type = #tpu.core_type<tc>, window_params = [{transform_indices = @transform_0, window_bounds = array<i64: 64, 2944>}, {transform_indices = @transform_1, window_bounds = array<i64: 64, 2944>}, {transform_indices = @transform_2, window_bounds = array<i64: 64, 2944>}, {transform_indices = @transform_3, window_bounds = array<i64: 64, 2944>}, {transform_indices = @transform_4, window_bounds = array<i64: 64, 2944>}, {transform_indices = @transform_5, window_bounds = array<i64: 64, 2944>}, {pipeline_mode = #tpu.pipeline_mode<synchronous>, transform_indices = @transform_6, window_bounds = array<i64: 64, 64>}, {transform_indices = @transform_7, window_bounds = array<i64: 2944, 128>}, {transform_indices = @transform_8, window_bounds = array<i64: 2944, 128>}, {transform_indices = @transform_9, window_bounds = array<i64: 2944, 128>}]} {
    %get3A = arith.constant 0 : index
    %get3A_0 = arith.constant 0 : index
    %get3A_1 = vector.load %arg7[%get3A, %get3A_0] : memref<64x64xf32, #tpu.memory_space<vmem>>, vector<64x64xf32>
    %get3A_2 = arith.constant 0 : index
    %get3A_3 = arith.constant 0 : index
    %get3A_4 = vector.load %arg1[%get3A_2, %get3A_3] : memref<64x2944xf32, #tpu.memory_space<vmem>>, vector<64x2944xf32>
    %dot_general3A = arith.constant dense<0.000000e+00> : vector<2944x64xf32>
    %dot_general3A_5 = tpu.matmul %get3A_4, %get3A_1, %dot_general3A {dimension_numbers = #tpu.dot_dimension_numbers<[0], [0], [1], [1], [0, 1, 1, 1], [], []>, transpose_lhs_hint = false} : vector<64x2944xf32>, vector<64x64xf32>, vector<2944x64xf32> -> vector<2944x64xf32>
    %get3A_6 = arith.constant 0 : index
    %get3A_7 = arith.constant 0 : index
    %get3A_8 = vector.load %arg2[%get3A_6, %get3A_7] : memref<64x2944xf32, #tpu.memory_space<vmem>>, vector<64x2944xf32>
    %dot_general3A_9 = arith.constant dense<0.000000e+00> : vector<2944x64xf32>
    %dot_general3A_10 = tpu.matmul %get3A_8, %get3A_1, %dot_general3A_9 {dimension_numbers = #tpu.dot_dimension_numbers<[0], [0], [1], [1], [0, 1, 1, 1], [], []>, transpose_lhs_hint = false} : vector<64x2944xf32>, vector<64x64xf32>, vector<2944x64xf32> -> vector<2944x64xf32>
    %concatenate3A = tpu.concatenate %dot_general3A_5, %dot_general3A_10 in 1 : vector<2944x64xf32>, vector<2944x64xf32> -> vector<2944x128xf32>
    %swap3A = arith.constant 0 : index
    %swap3A_11 = arith.constant 0 : index
    %swap3A_12 = vector.load %arg8[%swap3A, %swap3A_11] : memref<2944x128xf32, #tpu.memory_space<vmem>>, vector<2944x128xf32>
    tpu.vector_store %arg8[%swap3A, %swap3A_11], %concatenate3A {strides = array<i32>} : memref<2944x128xf32, #tpu.memory_space<vmem>>, vector<2944x128xf32>,
    %get3A_13 = arith.constant 0 : index
    %get3A_14 = arith.constant 0 : index
    %get3A_15 = vector.load %arg3[%get3A_13, %get3A_14] : memref<64x2944xf32, #tpu.memory_space<vmem>>, vector<64x2944xf32>
    %dot_general3A_16 = arith.constant dense<0.000000e+00> : vector<2944x64xf32>
    %dot_general3A_17 = tpu.matmul %get3A_15, %get3A_1, %dot_general3A_16 {dimension_numbers = #tpu.dot_dimension_numbers<[0], [0], [1], [1], [0, 1, 1, 1], [], []>, transpose_lhs_hint = false} : vector<64x2944xf32>, vector<64x64xf32>, vector<2944x64xf32> -> vector<2944x64xf32>
    %get3A_18 = arith.constant 0 : index
    %get3A_19 = arith.constant 0 : index
    %get3A_20 = vector.load %arg4[%get3A_18, %get3A_19] : memref<64x2944xf32, #tpu.memory_space<vmem>>, vector<64x2944xf32>
    %dot_general3A_21 = arith.constant dense<0.000000e+00> : vector<2944x64xf32>
    %dot_general3A_22 = tpu.matmul %get3A_20, %get3A_1, %dot_general3A_21 {dimension_numbers = #tpu.dot_dimension_numbers<[0], [0], [1], [1], [0, 1, 1, 1], [], []>, transpose_lhs_hint = false} : vector<64x2944xf32>, vector<64x64xf32>, vector<2944x64xf32> -> vector<2944x64xf32>
    %concatenate3A_23 = tpu.concatenate %dot_general3A_17, %dot_general3A_22 in 1 : vector<2944x64xf32>, vector<2944x64xf32> -> vector<2944x128xf32>
    %swap3A_24 = arith.constant 0 : index
    %swap3A_25 = arith.constant 0 : index
    %swap3A_26 = vector.load %arg9[%swap3A_24, %swap3A_25] : memref<2944x128xf32, #tpu.memory_space<vmem>>, vector<2944x128xf32>
    tpu.vector_store %arg9[%swap3A_24, %swap3A_25], %concatenate3A_23 {strides = array<i32>} : memref<2944x128xf32, #tpu.memory_space<vmem>>, vector<2944x128xf32>,
    %get3A_27 = arith.constant 0 : index
    %get3A_28 = arith.constant 0 : index
    %get3A_29 = vector.load %arg5[%get3A_27, %get3A_28] : memref<64x2944xf32, #tpu.memory_space<vmem>>, vector<64x2944xf32>
    %dot_general3A_30 = arith.constant dense<0.000000e+00> : vector<2944x64xf32>
    %dot_general3A_31 = tpu.matmul %get3A_29, %get3A_1, %dot_general3A_30 {dimension_numbers = #tpu.dot_dimension_numbers<[0], [0], [1], [1], [0, 1, 1, 1], [], []>, transpose_lhs_hint = false} : vector<64x2944xf32>, vector<64x64xf32>, vector<2944x64xf32> -> vector<2944x64xf32>
    %get3A_32 = arith.constant 0 : index
    %get3A_33 = arith.constant 0 : index
    %get3A_34 = vector.load %arg6[%get3A_32, %get3A_33] : memref<64x2944xf32, #tpu.memory_space<vmem>>, vector<64x2944xf32>
    %dot_general3A_35 = arith.constant dense<0.000000e+00> : vector<2944x64xf32>
    %dot_general3A_36 = tpu.matmul %get3A_34, %get3A_1, %dot_general3A_35 {dimension_numbers = #tpu.dot_dimension_numbers<[0], [0], [1], [1], [0, 1, 1, 1], [], []>, transpose_lhs_hint = false} : vector<64x2944xf32>, vector<64x64xf32>, vector<2944x64xf32> -> vector<2944x64xf32>
    %concatenate3A_37 = tpu.concatenate %dot_general3A_31, %dot_general3A_36 in 1 : vector<2944x64xf32>, vector<2944x64xf32> -> vector<2944x128xf32>
    %swap3A_38 = arith.constant 0 : index
    %swap3A_39 = arith.constant 0 : index
    %swap3A_40 = vector.load %arg10[%swap3A_38, %swap3A_39] : memref<2944x128xf32, #tpu.memory_space<vmem>>, vector<2944x128xf32>
    tpu.vector_store %arg10[%swap3A_38, %swap3A_39], %concatenate3A_37 {strides = array<i32>} : memref<2944x128xf32, #tpu.memory_space<vmem>>, vector<2944x128xf32>,
    return
  }
  func.func @transform_0(%arg0: i32) -> (i32, i32) {
    %c0_i32 = arith.constant 0 : i32
    %c0_i32_0 = arith.constant 0 : i32
    return %c0_i32, %arg0 : i32, i32
  }
  func.func @transform_1(%arg0: i32) -> (i32, i32) {
    %add3A = arith.constant 17 : i32
    %add3A_0 = arith.addi %arg0, %add3A : i32
    %c0_i32 = arith.constant 0 : i32
    %c0_i32_1 = arith.constant 0 : i32
    return %c0_i32, %add3A_0 : i32, i32
  }
  func.func @transform_2(%arg0: i32) -> (i32, i32) {
    %c0_i32 = arith.constant 0 : i32
    %c0_i32_0 = arith.constant 0 : i32
    return %c0_i32, %arg0 : i32, i32
  }
  func.func @transform_3(%arg0: i32) -> (i32, i32) {
    %add3A = arith.constant 17 : i32
    %add3A_0 = arith.addi %arg0, %add3A : i32
    %c0_i32 = arith.constant 0 : i32
    %c0_i32_1 = arith.constant 0 : i32
    return %c0_i32, %add3A_0 : i32, i32
  }
  func.func @transform_4(%arg0: i32) -> (i32, i32) {
    %c0_i32 = arith.constant 0 : i32
    %c0_i32_0 = arith.constant 0 : i32
    return %c0_i32, %arg0 : i32, i32
  }
  func.func @transform_5(%arg0: i32) -> (i32, i32) {
    %add3A = arith.constant 17 : i32
    %add3A_0 = arith.addi %arg0, %add3A : i32
    %c0_i32 = arith.constant 0 : i32
    %c0_i32_1 = arith.constant 0 : i32
    return %c0_i32, %add3A_0 : i32, i32
  }
  func.func @transform_6(%arg0: i32) -> (i32, i32) {
    %c0_i32 = arith.constant 0 : i32
    %c0_i32_0 = arith.constant 0 : i32
    %c0_i32_1 = arith.constant 0 : i32
    return %c0_i32, %c0_i32_0 : i32, i32
  }
  func.func @transform_7(%arg0: i32) -> (i32, i32) {
    %c0_i32 = arith.constant 0 : i32
    %c0_i32_0 = arith.constant 0 : i32
    return %arg0, %c0_i32 : i32, i32
  }
  func.func @transform_8(%arg0: i32) -> (i32, i32) {
    %c0_i32 = arith.constant 0 : i32
    %c0_i32_0 = arith.constant 0 : i32
    return %arg0, %c0_i32 : i32, i32
  }
  func.func @transform_9(%arg0: i32) -> (i32, i32) {
    %c0_i32 = arith.constant 0 : i32
    %c0_i32_0 = arith.constant 0 : i32
    return %arg0, %c0_i32 : i32, i32
  }
}

module attributes {stable_mosaic.version = 14 : i64} {
  func.func @_tc_body(%arg0: i32, %arg1: i32, %arg2: memref<1x4096x128xf32, #tpu.memory_space<vmem>>, %arg3: memref<128x64xf32, #tpu.memory_space<vmem>>, %arg4: memref<1x64x1xf32, #tpu.memory_space<vmem>>, %arg5: memref<2048x128xf32, #tpu.memory_space<vmem>>, %arg6: memref<64x64xf32, #tpu.memory_space<vmem>>, %arg7: memref<1x64x4096xf32, #tpu.memory_space<vmem>>) attributes {dimension_semantics = [#tpu.dimension_semantics<arbitrary>, #tpu.dimension_semantics<arbitrary>], iteration_bounds = array<i64: 50, 1>, scalar_prefetch = 0 : i64, scratch_operands = 0 : i64, tpu.core_type = #tpu.core_type<tc>, window_params = [{transform_indices = @transform_0, window_bounds = array<i64: 1, 4096, 128>}, {pipeline_mode = #tpu.pipeline_mode<synchronous>, transform_indices = @transform_1, window_bounds = array<i64: 128, 64>}, {transform_indices = @transform_2, window_bounds = array<i64: 1, 64, 1>}, {transform_indices = @transform_3, window_bounds = array<i64: 2048, 128>}, {pipeline_mode = #tpu.pipeline_mode<synchronous>, transform_indices = @transform_4, window_bounds = array<i64: 64, 64>}, {transform_indices = @transform_5, window_bounds = array<i64: 1, 64, 4096>}]} {
    %get3A = arith.constant 0 : index
    %get3A_0 = arith.constant 0 : index
    %get3A_1 = arith.constant 0 : index
    %get3A_2 = vector.load %arg2[%get3A, %get3A_0, %get3A_1] : memref<1x4096x128xf32, #tpu.memory_space<vmem>>, vector<1x4096x128xf32>
    %get3A_3 = vector.shape_cast %get3A_2 : vector<1x4096x128xf32> to vector<4096x128xf32>
    %get3A_4 = arith.constant 0 : index
    %get3A_5 = arith.constant 0 : index
    %get3A_6 = vector.load %arg3[%get3A_4, %get3A_5] : memref<128x64xf32, #tpu.memory_space<vmem>>, vector<128x64xf32>
    %dot_general3A = arith.constant dense<0.000000e+00> : vector<64x4096xf32>
    %dot_general3A_7 = tpu.matmul %get3A_6, %get3A_3, %dot_general3A {dimension_numbers = #tpu.dot_dimension_numbers<[0], [1], [1], [0], [0, 1, 1, 0], [], []>, transpose_lhs_hint = false} : vector<128x64xf32>, vector<4096x128xf32>, vector<64x4096xf32> -> vector<64x4096xf32>
    %get3A_8 = arith.constant 0 : index
    %get3A_9 = arith.constant 0 : index
    %get3A_10 = vector.load %arg5[%get3A_8, %get3A_9] : memref<2048x128xf32, #tpu.memory_space<vmem>>, vector<2048x128xf32>
    %get3A_11 = arith.constant 0 : index
    %get3A_12 = arith.constant 0 : index
    %get3A_13 = vector.load %arg6[%get3A_11, %get3A_12] : memref<64x64xf32, #tpu.memory_space<vmem>>, vector<64x64xf32>
    %slice3A = vector.extract_strided_slice %get3A_10 {offsets = [0, 0], sizes = [2048, 64], strides = [1, 1]} : vector<2048x128xf32> to vector<2048x64xf32>
    %dot_general3A_14 = arith.constant dense<0.000000e+00> : vector<64x2048xf32>
    %dot_general3A_15 = tpu.matmul %get3A_13, %slice3A, %dot_general3A_14 {dimension_numbers = #tpu.dot_dimension_numbers<[1], [1], [0], [0], [0, 0, 1, 0], [], []>, transpose_lhs_hint = false} : vector<64x64xf32>, vector<2048x64xf32>, vector<64x2048xf32> -> vector<64x2048xf32>
    %slice3A_16 = vector.extract_strided_slice %get3A_10 {offsets = [0, 64], sizes = [2048, 64], strides = [1, 1]} : vector<2048x128xf32> to vector<2048x64xf32>
    %dot_general3A_17 = arith.constant dense<0.000000e+00> : vector<64x2048xf32>
    %dot_general3A_18 = tpu.matmul %get3A_13, %slice3A_16, %dot_general3A_17 {dimension_numbers = #tpu.dot_dimension_numbers<[1], [1], [0], [0], [0, 0, 1, 0], [], []>, transpose_lhs_hint = false} : vector<64x64xf32>, vector<2048x64xf32>, vector<64x2048xf32> -> vector<64x2048xf32>
    %concatenate3A = tpu.concatenate %dot_general3A_15, %dot_general3A_18 in 1 : vector<64x2048xf32>, vector<64x2048xf32> -> vector<64x4096xf32>
    %get3A_19 = arith.constant 0 : index
    %get3A_20 = arith.constant 0 : index
    %get3A_21 = arith.constant 0 : index
    %get3A_22 = vector.load %arg4[%get3A_19, %get3A_20, %get3A_21] : memref<1x64x1xf32, #tpu.memory_space<vmem>>, vector<1x64x1xf32>
    %get3A_23 = vector.shape_cast %get3A_22 : vector<1x64x1xf32> to vector<64x1xf32>
    %add3A = vector.broadcast %get3A_23 : vector<64x1xf32> to vector<64x4096xf32>
    %add3A_24 = arith.addf %dot_general3A_7, %add3A : vector<64x4096xf32>
    %add3A_25 = arith.addf %add3A_24, %concatenate3A : vector<64x4096xf32>
    %swap3A = arith.constant 0 : index
    %swap3A_26 = arith.constant 0 : index
    %swap3A_27 = arith.constant 0 : index
    %swap3A_28 = vector.load %arg7[%swap3A, %swap3A_26, %swap3A_27] : memref<1x64x4096xf32, #tpu.memory_space<vmem>>, vector<1x64x4096xf32>
    %swap3A_29 = vector.shape_cast %swap3A_28 : vector<1x64x4096xf32> to vector<64x4096xf32>
    %swap3A_30 = vector.shape_cast %add3A_25 : vector<64x4096xf32> to vector<1x64x4096xf32>
    tpu.vector_store %arg7[%swap3A, %swap3A_26, %swap3A_27], %swap3A_30 {strides = array<i32>} : memref<1x64x4096xf32, #tpu.memory_space<vmem>>, vector<1x64x4096xf32>,
    return
  }
  func.func @transform_0(%arg0: i32, %arg1: i32) -> (i32, i32, i32) {
    %c0_i32 = arith.constant 0 : i32
    %c0_i32_0 = arith.constant 0 : i32
    return %arg0, %arg1, %c0_i32 : i32, i32, i32
  }
  func.func @transform_1(%arg0: i32, %arg1: i32) -> (i32, i32) {
    %c0_i32 = arith.constant 0 : i32
    %c0_i32_0 = arith.constant 0 : i32
    %c0_i32_1 = arith.constant 0 : i32
    return %c0_i32, %c0_i32_0 : i32, i32
  }
  func.func @transform_2(%arg0: i32, %arg1: i32) -> (i32, i32, i32) {
    %c0_i32 = arith.constant 0 : i32
    %c0_i32_0 = arith.constant 0 : i32
    %c0_i32_1 = arith.constant 0 : i32
    return %arg0, %c0_i32, %c0_i32_0 : i32, i32, i32
  }
  func.func @transform_3(%arg0: i32, %arg1: i32) -> (i32, i32) {
    %mul3A = arith.constant 1 : i32
    %mul3A_0 = arith.muli %arg0, %mul3A : i32
    %add3A = arith.addi %mul3A_0, %arg1 : i32
    %c0_i32 = arith.constant 0 : i32
    %c0_i32_1 = arith.constant 0 : i32
    return %add3A, %c0_i32 : i32, i32
  }
  func.func @transform_4(%arg0: i32, %arg1: i32) -> (i32, i32) {
    %c0_i32 = arith.constant 0 : i32
    %c0_i32_0 = arith.constant 0 : i32
    %c0_i32_1 = arith.constant 0 : i32
    return %c0_i32, %c0_i32_0 : i32, i32
  }
  func.func @transform_5(%arg0: i32, %arg1: i32) -> (i32, i32, i32) {
    %c0_i32 = arith.constant 0 : i32
    %c0_i32_0 = arith.constant 0 : i32
    return %arg0, %c0_i32, %arg1 : i32, i32, i32
  }
}

</mosaic_0001>

<sc_bundles>
// kernel: kernel.5.cloned.1.call-start
scs
__scs_entry_jumppad:
0x0: {  	(pc) =	sbr.rel $0x88, $3  }
0x1: {  	(tag) =	ssettag $0x0;
	lr =	simm.s32 $0x1  }
0x2: {  	[smem:$0x3F9A] =	sst lr;
	_ =	strace $0xD0000000  }
0x3: {  	_ = 	snop  }
0x4: {  	_ = 	snop  }
0x5: {  	_ = 	snop  }
0x6: {  	_ = 	snop  }
0x7: {  	_ = 	snop  }
__scs_overlays_trampoline_lowered:
0x8: {  	[smem:$0x3FA9] =	sst s0  }
0x9: {  	[smem:$0x3FAA] =	sst s1  }
0xa: {  	[smem:$0x3FAB] =	sst s2  }
0xb: {  	[smem:$0x3FAC] =	sst s3  }
0xc: {  	[smem:$0x3FAD] =	sst s4  }
0xd: {  	[smem:$0x3FAE] =	sst s5  }
0xe: {  	[smem:$0x3FAF] =	sst s6  }
0xf: {  	[smem:$0x3FB0] =	sst s7  }
0x10: {  	[smem:$0x3FB1] =	sst s8  }
0x11: {  	[smem:$0x3FB2] =	sst s9;
	s0 =	simm.s32 @!p0 $0x0  }
0x12: {  	s1 =	sld [smem:$0x3F98];
	s0 =	simm.s32 @p0 $0x1  }
0x13: {  	[smem:$0x3FB3] =	sst s0;
	s0 =	simm.s32 @!p1 $0x0  }
0x14: {  	s2 =	sld [smem:$0x3F97];
	s0 =	simm.s32 @p1 $0x1  }
0x15: {  	[smem:$0x3FB4] =	sst s0;
	s0 =	simm.s32 @!p2 $0x0  }
0x16: {  	s3 =	sld [smem:$0x3FDB];
	s0 =	simm.s32 @p2 $0x1  }
0x17: {  	s4 =	simm.s32 $0x1BF5;
	[smem:$0x3FB6] =	sst s0  }
0x18: {  	s0 =	sld [smem:$0x3F99];
	_ =	swait.ge [sflag:s4], $0x0  }
0x19: {  	s7 =	sld [smem:$0x3F9A]  }
0x1a: {  	s8 =	sadd.s32 $0xFFFFE003, lr  }
0x1b: {  	s9 =	sadd.s32 $0xFFFFFEF7, lr;
	s5 =	simm.s32 $0xFFFFFFFF;
	p2 =	slt.u32 s8, $0xFFFFF086  }
0x1c: {  	p1 =	slt.u32 s9, $0xF7A;
	s5 =	simm.s32 @!p2 $0x0  }
0x1d: {  	s5 =	simm.s32 @p1 $0x1;
	p0 =	seq.s32 s7, s2  }
0x1e: {  	s7 =	smul.u32 @!p0 $0xF7A, s2;
	p2 =	seq.s32 @!p0 s5, $0x0  }
0x1f: {  	s9 =	smul.u32 $0xF7A, s1;
	s8 =	simm.s32 @!p0 $0x1BF5;
	p2 =	por !p2, p0  }
0x20: {  	[sflag:s8] =	ssyncset.s32 @!p0 $0xFFFFF086;
	s6 =	sadd.s32 @!p0 s3, s7;
	s7 =	simm.s32 @!p0 $0x108  }
0x21: {  	s3 =	sadd.s32 s3, s9;
	s6 =	sadd.s32 @!p0 $0x88, s6;
	s7 =	simm.s32 @p2 $0x1082  }
0x22: {  	[simem:s7], [sflag:s8] =	dma.local @!p0 [hbm:s6], $0xF7A  }
0x23: {  	s9 =	sor.u32 $0xD0000000, s2;
	s6 =	simm.s32 $0x108;
	_ =	swait.ge @!p0 [sflag:s8], $0x0  }
0x24: {  	s3 =	sadd.s32 $0x88, s3;
	s6 =	simm.s32 @!p1 $0x1082;
	[sflag:s4] =	ssyncset.s32 $0xFFFFF086  }
0x25: {  	[simem:s6], [sflag:s4] =	dma.local [hbm:s3], $0xF7A  }
0x26: {  	[smem:$0x3F9A] =	sst s1;
	(tag) =	ssettag s2;
	_ =	strace s9  }
0x27: {  	s1 =	sld [smem:$0x3FAA]  }
0x28: {  	s2 =	sld [smem:$0x3FAB]  }
0x29: {  	s4 =	sld [smem:$0x3FAD]  }
0x2a: {  	p0 =	seq.s32 s5, $0x0;
	s5 =	sld [smem:$0x3FAE]  }
0x2b: {  	s6 =	sld [smem:$0x3FAF]  }
0x2c: {  	s7 =	sld [smem:$0x3FB0]  }
0x2d: {  	s3 =	simm.s32 $0x108;
	s8 =	sld [smem:$0x3FB1]  }
0x2e: {  	s3 =	simm.s32 @!p0 $0x1082;
	s9 =	sld [smem:$0x3FB2]  }
0x2f: {  	lr =	sadd.s32 s0, s3;
	s0 =	sld [smem:$0x3FA9]  }
0x30: {  	s3 =	sld [smem:$0x3FAC]  }
0x31: {  	[smem:$0x3FB5] =	sst s10  }
0x32: {  	s10 =	sld [smem:$0x3FB3];
	_ =	sdelay $0x3  }
0x33: {  	p0 =	seq.s32 s10, $0x1;
	s10 =	sld [smem:$0x3FB5];
	_ =	sdelay $0x3  }
0x34: {  	[smem:$0x3FB5] =	sst s10  }
0x35: {  	s10 =	sld [smem:$0x3FB4];
	_ =	sdelay $0x3  }
0x36: {  	p1 =	seq.s32 s10, $0x1;
	s10 =	sld [smem:$0x3FB5];
	_ =	sdelay $0x3  }
0x37: {  	[smem:$0x3FB5] =	sst s10  }
0x38: {  	s10 =	sld [smem:$0x3FB6]  }
0x39: {  	_ = 	snop;
	(pc) =	sbr.ind lr, $3  }
0x3a: {  	_ = 	snop  }
0x3b: {  	_ = 	snop  }
0x3c: {  	p2 =	seq.s32 s10, $0x1;
	s10 =	sld [smem:$0x3FB5]  }
0x3d: {  	_ =	shalt  }
0x3e: {  	_ =	shalt  }
0x3f: {  	_ =	shalt  }
0x40: {  	_ =	shalt  }
0x41: {  	_ =	shalt  }
0x42: {  	_ =	shalt  }
0x43: {  	_ =	shalt  }
0x44: {  	_ =	shalt  }
0x45: {  	_ =	shalt  }
0x46: {  	_ =	shalt  }
0x47: {  	_ =	shalt  }
0x48: {  	_ =	shalt  }
0x49: {  	_ =	shalt  }
0x4a: {  	_ =	shalt  }
0x4b: {  	_ =	shalt  }
0x4c: {  	_ =	shalt  }
0x4d: {  	_ =	shalt  }
0x4e: {  	_ =	shalt  }
0x4f: {  	_ =	shalt  }
0x50: {  	_ =	shalt  }
0x51: {  	_ =	shalt  }
0x52: {  	_ =	shalt  }
0x53: {  	_ =	shalt  }
0x54: {  	_ =	shalt  }
0x55: {  	_ =	shalt  }
0x56: {  	_ =	shalt  }
0x57: {  	_ =	shalt  }
0x58: {  	_ =	shalt  }
0x59: {  	_ =	shalt  }
0x5a: {  	_ =	shalt  }
0x5b: {  	_ =	shalt  }
0x5c: {  	_ =	shalt  }
0x5d: {  	_ =	shalt  }
0x5e: {  	_ =	shalt  }
0x5f: {  	_ =	shalt  }
0x60: {  	_ =	shalt  }
0x61: {  	_ =	shalt  }
0x62: {  	_ =	shalt  }
0x63: {  	_ =	shalt  }
0x64: {  	_ =	shalt  }
0x65: {  	_ =	shalt  }
0x66: {  	_ =	shalt  }
0x67: {  	_ =	shalt  }
0x68: {  	_ =	shalt  }
0x69: {  	_ =	shalt  }
0x6a: {  	_ =	shalt  }
0x6b: {  	_ =	shalt  }
0x6c: {  	_ =	shalt  }
0x6d: {  	_ =	shalt  }
0x6e: {  	_ =	shalt  }
0x6f: {  	_ =	shalt  }
0x70: {  	_ =	shalt  }
0x71: {  	_ =	shalt  }
0x72: {  	_ =	shalt  }
0x73: {  	_ =	shalt  }
0x74: {  	_ =	shalt  }
0x75: {  	_ =	shalt  }
0x76: {  	_ =	shalt  }
0x77: {  	_ =	shalt  }
0x78: {  	_ =	shalt  }
0x79: {  	_ =	shalt  }
0x7a: {  	_ =	shalt  }
0x7b: {  	_ =	shalt  }
0x7c: {  	_ =	shalt  }
0x7d: {  	_ =	shalt  }
0x7e: {  	_ =	shalt  }
0x7f: {  	_ =	shalt  }
0x80: {  	_ =	shalt  }
0x81: {  	_ =	shalt  }
0x82: {  	_ =	shalt  }
0x83: {  	_ =	shalt  }
0x84: {  	_ =	shalt  }
0x85: {  	_ =	shalt  }
0x86: {  	_ =	shalt  }
0x87: {  	_ =	shalt  }
.Lfunc_end0:
.L_simem_size_0:
called_computation_lowered:
.L_overlay_start_0:
0x88: {  	s2 =	sld [smem:$0x3FD9]  }
0x89: {  	s3 =	sld [smem:$0x3FFE];
	_ =	sdelay $0x1  }
0x8a: {  	s1 =	srdreg.scid  }
0x8b: {  	s0 =	sand.u32 $0x1, s1  }
0x8c: {  	s17 =	sshll.u32 s0, $0xA;
	s2 =	sadd.s32 s3, s2  }
0x8d: {  	s2 =	sadd.s32 s2, s17  }
0x8e: {  	[smem:$0x3FC1] =	sst s2  }
0x8f: {  	_ = 	snop  }
0x90: {  	s2 =	sld [smem:$0x3FD0];
	(tm) =	ssettm $0x1  }
0x91: {  	s18 =	sld [smem:$0x3FFB];
	_ =	sdelay $0x3  }
0x92: {  	_ =	strace s18  }
0x93: {  	s3 =	sld [smem:$0x3FFC];
	_ =	sdelay $0x3  }
0x94: {  	_ =	strace s3  }
0x95: {  	s3 =	sld [smem:$0x3FFD];
	_ =	sdelay $0x3  }
0x96: {  	_ =	strace s3  }
0x97: {  	_ =	strace $0x8FFFFFFF  }
0x98: {  	s19 =	sld [smem:$0x3FDB];
	_ =	sdelay $0x1  }
0x99: {  	s4 =	simm.s32 $_scs_section_size  }
0x9a: {  	s5 =	simm.s32 $_size__tile_overlayer_lowered;
	s6 =	simm.s32 $_tile_overlayer_lowered  }
0x9b: {  	s22 =	simm.s32 $0x1BFF;
	s21 =	sshll.u32 s6, $0x1;
	s3 =	sadd.s32 s4, s19  }
0x9c: {  	s7 =	simm.s32 $0x0;
	s20 =	sshll.u32 s5, $0x1;
	s5 =	sadd.s32 s21, s3  }
0x9d: {  	[timem:s7], [sflag:s22] =	dma.local [hbm:s5], s20  }
0x9e: {  	_ =	swait.ge [sflag:s22], s20  }
0x9f: {  	s4 =	ssub.s32 $0x0, s20;
	[sflag:s22] =	ssyncset.done $0x0  }
0xa0: {  	[sflag:s22] =	ssyncadd.s32 s4;
	_ =	sdelay $0x1  }
0xa1: {  	s23 =	simm.s32 $0x1B8B  }
0xa2: {  	_ =	swait.ge [sflag:s23], $0x1  }
0xa3: {  	[sflag:s23] =	ssyncset.done $0x0  }
0xa4: {  	s25 =	simm.s32 $0x1B8E;
	s24 =	sld [smem:$0x3FFE];
	[sflag:s23] =	ssyncadd.s32 $0xFFFFFFFF  }
0xa5: {  	s26 =	simm.s32 $execute0_lowered;
	[smem:$0x3FD2] =	sst s25  }
0xa6: {  	s5 =	sshll.u32 s26, $0x1;
	_ =	strace $0x80000046;
	[dreg:$0x1] =	wrdreg $0xFFFFFFFF  }
0xa7: {  	s28 =	simm.s32 $_size_execute0_lowered;
	s3 =	sadd.s32 s3, s5;
	[dreg:$0x0] =	wrdreg $0x0  }
0xa8: {  	s5 =	sshll.u32 s28, $0x1;
	[dreg:$0x2] =	wrdreg s3  }
0xa9: {  	[dreg:$0x3] =	wrdreg s5  }
0xaa: {  	[dreg:$0x4] =	wrdreg $0xC0  }
0xab: {  	_ =	task [dreg:s7], $0x5FFFF  }
0xac: {  	[dreg:$0x1] =	wrdreg $0xFFFFFFFF  }
0xad: {  	[dreg:$0x0] =	wrdreg $0x60  }
0xae: {  	[dreg:$0x2] =	wrdreg s24  }
0xaf: {  	[dreg:$0x3] =	wrdreg s2  }
0xb0: {  	[dreg:$0x4] =	wrdreg $0x9  }
0xb1: {  	_ =	task.clear_ibuf [dreg:s7], $0x5FFFF;
	_ =	strace $0x90000046  }
0xb2: {  	s29 =	simm.s32 $0x9;
	_ =	strace $0x80000048  }
0xb3: {  	_ =	swait.ge [sflag:s29], $0x1  }
0xb4: {  	[sflag:s29] =	ssyncadd.s32 $0xFFFFFFFF  }
0xb5: {  	_ =	strace $0x90000048  }
0xb6: {  	_ =	sfence  }
0xb7: {  	s30 =	sld [smem:$0x0];
	_ =	sdelay $0x2  }
0xb8: {  	s31 =	sshll.u32 s1, $0xD;
	s1 =	sshrl.u32 s1, $0x2  }
0xb9: {  	s3 =	sand.u32 $0x4000, s31;
	s1 =	sadd.s32 s1, s30  }
0xba: {  	s0 =	sor.u32 s3, s0;
	s1 =	sshll.u32 s1, $0x11  }
0xbb: {  	s0 =	sor.u32 s1, s0  }
0xbc: {  	s0 =	sadd.s32 $0x8F2B, s0  }
0xbd: {  	[sflag:s0] =	ssyncadd.remote.s32 $0x1  }
0xbe: {  	_ =	sfence.sel $0xFFFF  }
0xbf: {  	[dreg:$0x0] =	wrdreg $0xFFFFFFFF;
	(pc) =	sbr.abs _section_cstart, $3  }
0xc0: {  	[dreg:$0x1] =	wrdreg $0xFFFFFFFF  }
0xc1: {  	_ =	task.clear_ibuf [dreg:s7], $0x2FFFF;
	_ =	strace $0x9FFFFFFF  }
0xc2: {  	(tm) =	ssettm $0x7FFFFFFF  }
0xc3: {  	_ =	shalt  }
tec
execute0_lowered:
.L_overlay_start_1:
0x0: {  	(tag) =	ssettag $0x1  }
0x1: {  	s0 =	srdreg.scid;
	s6 =	rddreg [dreg:$0x0]  }
0x2: {  	s1 =	stileid.u32;
	s2 =	rddreg [dreg:$0x1];
	s3 =	simm.s32 $0x0  }
0x3: {  	s12 =	simm.s32 $0x5;
	s13 =	simm.s32 $0x1900;
	s14 =	simm.s32 $0x3200  }
0x4: {  	s16 =	simm.s32 $0x80;
	s19 =	simm.s32 $0xE400;
	s20 =	simm.s32 $0x8400  }
0x5: {  	s21 =	simm.s32 $0xC400;
	s22 =	simm.s32 $0x10400;
	s23 =	simm.s32 $0x1  }
0x6: {  	s24 =	simm.s32 $0x12400;
	s25 =	simm.s32 $0x2;
	s26 =	simm.s32 $0x14400  }
0x7: {  	s28 =	simm.s32 $0x3;
	s0 =	sand.u32 $0x1, s0;
	s1 =	sshll.u32 s1, $0x1  }
0x8: {  	s29 =	simm.s32 $0x4;
	s30 =	simm.s32 $0x0;
	s1 =	sor.u32 s0, s1  }
0x9: {  	[smem:$0x7FF] =	sst s3;
	s0 =	ssub.s32 $0x2, s0;
	s4 =	smul.u32 $0x1900, s1  }
0xa: {  	s5 =	sadd.s32 $0xDD400, s6;
	s1 =	smul.u32 $0x320, s1;
	s7 =	sshrl.u32 s0, $0x1  }
0xb: {  	_ =	strace $0x80000047;
	s0 =	ssub.s32 s0, s7;
	s4 =	sshrl.u32 s4, $0x3  }
0xc: {  	s1 =	sadd.s32 s1, s6;
	s11 =	smax.u32 s0, $0x1;
	s9 =	sadd.s32 s4, s6  }
0xd: {  	s4 =	sadd.s32 $0x19C00, s6;
	s6 =	sadd.s32 $0x1A0C00, s6;
	s10 =	sadd.s32 $0xC00, s1  }
0xe: {  	s7 =	sadd.s32 $0x7000, s9;
	s8 =	sadd.s32 $0xD400, s9;
	s9 =	sadd.s32 $0x13800, s9  }
.LBB2_1:
0xf: {  	[tilespmem:s3], [sflag:$0x5] =	stream.linear.gather [hbm4b:s7+s3], $0x1900, $0x38;
	[tilespmem:$0x16400] =	vst v63  }
0x10: {  	_ =	swait.ge [sflag:s12], $0x1900  }
0x11: {  	[sflag:s12] =	ssyncset.done $0x0  }
0x12: {  	[sflag:s12] =	ssyncadd.s32 $0xFFFFE700  }
0x13: {  	[tilespmem:s13], [sflag:$0x5] =	stream.linear.gather [hbm4b:s8+s3], $0x1900, $0x38;
	[tilespmem:$0x16400] =	vst v63  }
0x14: {  	_ =	swait.ge [sflag:s12], $0x1900  }
0x15: {  	[sflag:s12] =	ssyncset.done $0x0  }
0x16: {  	[sflag:s12] =	ssyncadd.s32 $0xFFFFE700  }
0x17: {  	[tilespmem:s14], [sflag:$0x5] =	stream.linear.gather [hbm4b:s9+s3], $0x1900, $0x38;
	[tilespmem:$0x16400] =	vst v63  }
0x18: {  	_ =	swait.ge [sflag:s12], $0x1900  }
0x19: {  	[sflag:s12] =	ssyncset.done $0x0  }
0x1a: {  	s0 =	simm.s32 $0x4B00;
	[sflag:s12] =	ssyncadd.s32 $0xFFFFE700  }
0x1b: {  	[tilespmem:s0], [sflag:$0x5] =	stream.linear.gather [hbm4b:s10+s3], $0x1900, $0x38;
	[tilespmem:$0x16400] =	vst v63  }
0x1c: {  	_ =	swait.ge [sflag:s12], $0x1900  }
0x1d: {  	[sflag:s12] =	ssyncset.done $0x0  }
0x1e: {  	s17 =	simm.s32 $0x6400;
	[sflag:s12] =	ssyncadd.s32 $0xFFFFE700  }
0x1f: {  	[tilespmem:s17], [sflag:$0x1] =	stream.indirect.gather [hbm4b:s2+s16], $0x40, s3, s16, $0xb8;
	[tilespmem:$0x16400] =	vst v63  }
0x20: {  	s18 =	simm.s32 $0xA400  }
0x21: {  	[tilespmem:s18], [sflag:$0x1] =	stream.indirect.gather [hbm4b:s4+s16], $0x40, s13, s16, $0xb8;
	[tilespmem:$0x16400] =	vst v63  }
0x22: {  	s31 =	simm.s32 $0x0  }
0x23: {  	[tilespmem:s19], [sflag:$0x1] =	stream.indirect.gather [hbm4b:s5+s16], $0x40, s14, s16, $0xb8;
	[tilespmem:$0x16400] =	vst v63  }
.LBB2_2:
0x24: {  	s0 =	sshll.u32 s31, $0x8  }
0x25: {  	s1 =	sor.u32 $0x80, s0  }
0x26: {  	[tilespmem:s20], [sflag:$0x2] =	stream.indirect.gather [hbm4b:s2+s16], $0x40, s1, s16, $0xb8;
	[tilespmem:$0x16400] =	vst v63  }
0x27: {  	s15 =	sadd.s32 $0x1980, s0  }
0x28: {  	[tilespmem:s21], [sflag:$0x2] =	stream.indirect.gather [hbm4b:s4+s16], $0x40, s15, s16, $0xb8;
	[tilespmem:$0x16400] =	vst v63  }
0x29: {  	s18 =	sadd.s32 $0x3280, s0  }
0x2a: {  	[tilespmem:s22], [sflag:$0x2] =	stream.indirect.gather [hbm4b:s5+s16], $0x40, s18, s16, $0xb8;
	[tilespmem:$0x16400] =	vst v63  }
0x2b: {  	_ =	swait.ge [sflag:s23], $0x2000  }
0x2c: {  	[sflag:s23] =	ssyncset.done $0x0  }
0x2d: {  	[sflag:s23] =	ssyncadd.s32 $0xFFFFE000  }
0x2e: {  	_ =	swait.ge [sflag:s23], $0x2000  }
0x2f: {  	[sflag:s23] =	ssyncset.done $0x0  }
0x30: {  	[sflag:s23] =	ssyncadd.s32 $0xFFFFE000  }
0x31: {  	_ =	swait.ge [sflag:s23], $0x2000  }
0x32: {  	p0 =	seq.s32 s31, $0x0;
	[sflag:s23] =	ssyncset.done $0x0  }
0x33: {  	s15 =	simm.s32 @!p0 $0x3;
	[sflag:s23] =	ssyncadd.s32 $0xFFFFE000  }
0x34: {  	_ =	swait.ge @!p0 [sflag:s15], $0x2000  }
0x35: {  	[sflag:s15] =	ssyncset.done @!p0 $0x0  }
0x36: {  	[sflag:s15] =	ssyncadd.s32 @!p0 $0xFFFFE000;
	s15 =	simm.s32 $0x0  }
0x37: {  	v0 =	vld [tilespmem:s15+$0x6430]  }
0x38: {  	v1 =	vld [tilespmem:s15+$0xA430]  }
0x39: {  	v6 =	vld [tilespmem:s15+$0x6400]  }
0x3a: {  	v3 =	vld [tilespmem:s15+$0xE430]  }
0x3b: {  	v7 =	vld [tilespmem:s15+$0xA400]  }
0x3c: {  	v8 =	vld [tilespmem:s15+$0x6410]  }
0x3d: {  	v9 =	vld [tilespmem:s15+$0xA410]  }
0x3e: {  	v2 =	vld [tilespmem:s15+$0xA420];
	v1 =	vadd.f32 v1, v0  }
0x3f: {  	v0 =	vld [tilespmem:s15+$0x6420]  }
0x40: {  	v5 =	vld [tilespmem:s15+$0xE400];
	v1 =	vadd.f32 v3, v1  }
0x41: {  	v3 =	vld [tilespmem:s15+$0xE410]  }
0x42: {  	s17 =	simm.s32 $0x40;
	v4 =	vld [tilespmem:s15+$0xE420];
	[tilespmem:s15+$0x12430] =	vst v1  }
0x43: {  	s18 =	simm.s32 $0x200;
	v6 =	vadd.f32 v7, v6;
	v7 =	vadd.f32 v9, v8;
	v1 =	vld [tilespmem:s17+$0x6430]  }
.LBB2_3:
0x44: {  	p1 =	sne.s32 s18, $0x7F00;
	v8 =	vld [tilespmem:s17+$0xA430];
	v0 =	vadd.f32 v2, v0  }
0x45: {  	v9 =	vld [tilespmem:s17+$0x6400];
	v2 =	vadd.f32 v5, v6  }
0x46: {  	v5 =	vld [tilespmem:s17+$0xE430];
	v3 =	vadd.f32 v3, v7  }
0x47: {  	v6 =	vld [tilespmem:s17+$0xA400];
	[tilespmem:s15+$0x12400] =	vst v2;
	v0 =	vadd.f32 v4, v0  }
0x48: {  	v4 =	vld [tilespmem:s17+$0x6410];
	[tilespmem:s15+$0x12410] =	vst v3  }
0x49: {  	v7 =	vld [tilespmem:s17+$0xA410];
	v1 =	vadd.f32 v8, v1;
	[tilespmem:s15+$0x12420] =	vst v0;
	s15 =	smov.u32 s17  }
0x4a: {  	v0 =	vld [tilespmem:s15+$0x6420]  }
.Ltmp0:
0x4b: {  	v2 =	vld [tilespmem:s15+$0xA420];
	v1 =	vadd.f32 v5, v1;
	(pc) =	sbr.rel @p1 .LBB2_3-.Ltmp0, $4  }
0x4c: {  	v6 =	vadd.f32 v6, v9;
	v5 =	vld [tilespmem:s15+$0xE400]  }
0x4d: {  	v3 =	vld [tilespmem:s15+$0xE410];
	[tilespmem:s15+$0x12430] =	vst v1  }
0x4e: {  	s17 =	sshra.s32 s18, $0x2;
	v7 =	vadd.f32 v7, v4;
	v4 =	vld [tilespmem:s15+$0xE420]  }
0x4f: {  	s18 =	sadd.s32 $0x100, s18;
	v1 =	vld [tilespmem:s17+$0x6430]  }
0x50: {  	v8 =	vld [tilespmem:s17+$0xA430]  }
0x51: {  	v9 =	vld [tilespmem:s17+$0x6400];
	v0 =	vadd.f32 v2, v0;
	v5 =	vadd.f32 v5, v6  }
0x52: {  	v10 =	vld [tilespmem:s17+$0xA400];
	v2 =	vadd.f32 v3, v7  }
0x53: {  	v6 =	vld [tilespmem:s17+$0xE430];
	[tilespmem:s15+$0x12400] =	vst v5;
	v0 =	vadd.f32 v4, v0  }
0x54: {  	v3 =	vld [tilespmem:s17+$0x6410];
	[tilespmem:s15+$0x12410] =	vst v2  }
0x55: {  	v2 =	vld [tilespmem:s17+$0xA410];
	[tilespmem:s15+$0x12420] =	vst v0  }
0x56: {  	v0 =	vadd.f32 v8, v1;
	v1 =	vld [tilespmem:s17+$0x6420]  }
0x57: {  	v4 =	vld [tilespmem:s17+$0xA420]  }
0x58: {  	v5 =	vld [tilespmem:s17+$0xE400];
	v0 =	vadd.f32 v6, v0  }
0x59: {  	v6 =	vld [tilespmem:s17+$0xE410]  }
0x5a: {  	[tilespmem:s17+$0x12430] =	vst v0;
	v0 =	vld [tilespmem:s17+$0xE420]  }
0x5b: {  	v7 =	vadd.f32 v10, v9  }
0x5c: {  	v2 =	vadd.f32 v2, v3  }
0x5d: {  	v1 =	vadd.f32 v4, v1;
	v3 =	vadd.f32 v5, v7  }
0x5e: {  	v2 =	vadd.f32 v6, v2  }
0x5f: {  	[tilespmem:s17+$0x12400] =	vst v3;
	v0 =	vadd.f32 v0, v1  }
0x60: {  	s18 =	sand.u32 $0x3FFFFF00, s0;
	[tilespmem:s17+$0x12410] =	vst v2  }
0x61: {  	p1 =	seq.s32 s31, $0x18;
	s15 =	sadd.s32 $0x4B00, s18;
	[tilespmem:s17+$0x12420] =	vst v0  }
0x62: {  	[hbm4b:s6+s16] =	stream.indirect.scatter [tilespmem:s24], [sflag:$0x3], $0x40, s15, s16, $0xb8;
	[tilespmem:$0x16400] =	vst v63  }
0x63: {  	s18 =	simm.s32 @!p1 $0x6400;
	s17 =	simm.s32 @!p1 $0x80;
	s15 =	sadd.s32 @!p1 $0x100, s0  }
0x64: {  	[tilespmem:s18], [sflag:$0x1] =	stream.indirect.gather @!p1 [hbm4b:s2+s17], $0x40, s15, s17, $0xb8;
	[tilespmem:$0x16400] =	vst v63  }
0x65: {  	s15 =	sadd.s32 @!p1 $0x1A00, s0;
	s18 =	simm.s32 @!p1 $0xA400  }
0x66: {  	[tilespmem:s18], [sflag:$0x1] =	stream.indirect.gather @!p1 [hbm4b:s4+s17], $0x40, s15, s17, $0xb8;
	[tilespmem:$0x16400] =	vst v63  }
0x67: {  	s0 =	sadd.s32 @!p1 $0x3300, s0;
	s15 =	simm.s32 @!p1 $0xE400  }
0x68: {  	[tilespmem:s15], [sflag:$0x1] =	stream.indirect.gather @!p1 [hbm4b:s5+s17], $0x40, s0, s17, $0xb8;
	[tilespmem:$0x16400] =	vst v63  }
0x69: {  	_ =	swait.ge [sflag:s25], $0x2000  }
0x6a: {  	[sflag:s25] =	ssyncset.done $0x0  }
0x6b: {  	[sflag:s25] =	ssyncadd.s32 $0xFFFFE000  }
0x6c: {  	_ =	swait.ge [sflag:s25], $0x2000  }
0x6d: {  	[sflag:s25] =	ssyncset.done $0x0  }
0x6e: {  	[sflag:s25] =	ssyncadd.s32 $0xFFFFE000  }
0x6f: {  	_ =	swait.ge [sflag:s25], $0x2000  }
0x70: {  	[sflag:s25] =	ssyncset.done $0x0  }
0x71: {  	s0 =	simm.s32 @!p0 $0x4;
	[sflag:s25] =	ssyncadd.s32 $0xFFFFE000  }
0x72: {  	_ =	swait.ge @!p0 [sflag:s0], $0x2000  }
0x73: {  	[sflag:s0] =	ssyncset.done @!p0 $0x0  }
0x74: {  	[sflag:s0] =	ssyncadd.s32 @!p0 $0xFFFFE000;
	s0 =	simm.s32 $0x0  }
0x75: {  	v0 =	vld [tilespmem:s0+$0x8430]  }
0x76: {  	v1 =	vld [tilespmem:s0+$0xC430]  }
0x77: {  	v6 =	vld [tilespmem:s0+$0x8400]  }
0x78: {  	v3 =	vld [tilespmem:s0+$0x10430]  }
0x79: {  	v7 =	vld [tilespmem:s0+$0xC400]  }
0x7a: {  	v8 =	vld [tilespmem:s0+$0x8410]  }
0x7b: {  	v63 =	vld [tilespmem:s0+$0xC410]  }
0x7c: {  	v2 =	vld [tilespmem:s0+$0xC420];
	v1 =	vadd.f32 v1, v0  }
0x7d: {  	v0 =	vld [tilespmem:s0+$0x8420]  }
0x7e: {  	v5 =	vld [tilespmem:s0+$0x10400];
	v1 =	vadd.f32 v3, v1  }
0x7f: {  	v3 =	vld [tilespmem:s0+$0x10410]  }
0x80: {  	s15 =	simm.s32 $0x40;
	v4 =	vld [tilespmem:s0+$0x10420];
	[tilespmem:s0+$0x14430] =	vst v1  }
0x81: {  	s17 =	simm.s32 $0x200;
	v6 =	vadd.f32 v7, v6;
	v7 =	vadd.f32 v63, v8;
	v1 =	vld [tilespmem:s15+$0x8430]  }
.LBB2_5:
0x82: {  	p0 =	sne.s32 s17, $0x7F00;
	v8 =	vld [tilespmem:s15+$0xC430];
	v0 =	vadd.f32 v2, v0  }
0x83: {  	v9 =	vld [tilespmem:s15+$0x8400];
	v2 =	vadd.f32 v5, v6  }
0x84: {  	v5 =	vld [tilespmem:s15+$0x10430];
	v3 =	vadd.f32 v3, v7  }
0x85: {  	v6 =	vld [tilespmem:s15+$0xC400];
	[tilespmem:s0+$0x14400] =	vst v2;
	v0 =	vadd.f32 v4, v0  }
0x86: {  	v4 =	vld [tilespmem:s15+$0x8410];
	[tilespmem:s0+$0x14410] =	vst v3  }
0x87: {  	v7 =	vld [tilespmem:s15+$0xC410];
	v1 =	vadd.f32 v8, v1;
	[tilespmem:s0+$0x14420] =	vst v0;
	s0 =	smov.u32 s15  }
0x88: {  	v0 =	vld [tilespmem:s0+$0x8420]  }
.Ltmp1:
0x89: {  	v2 =	vld [tilespmem:s0+$0xC420];
	v1 =	vadd.f32 v5, v1;
	(pc) =	sbr.rel @p0 .LBB2_5-.Ltmp1, $4  }
0x8a: {  	v6 =	vadd.f32 v6, v9;
	v5 =	vld [tilespmem:s0+$0x10400]  }
0x8b: {  	v3 =	vld [tilespmem:s0+$0x10410];
	[tilespmem:s0+$0x14430] =	vst v1  }
0x8c: {  	s15 =	sshra.s32 s17, $0x2;
	v7 =	vadd.f32 v7, v4;
	v4 =	vld [tilespmem:s0+$0x10420]  }
0x8d: {  	s17 =	sadd.s32 $0x100, s17;
	v1 =	vld [tilespmem:s15+$0x8430]  }
0x8e: {  	v8 =	vld [tilespmem:s15+$0xC430]  }
0x8f: {  	v9 =	vld [tilespmem:s15+$0x8400];
	v0 =	vadd.f32 v2, v0;
	v5 =	vadd.f32 v5, v6  }
0x90: {  	v54 =	vld [tilespmem:s15+$0x10430];
	v55 =	vadd.f32 v3, v7  }
0x91: {  	v10 =	vld [tilespmem:s15+$0xC400];
	[tilespmem:s0+$0x14400] =	vst v5;
	v0 =	vadd.f32 v4, v0  }
0x92: {  	v56 =	vld [tilespmem:s15+$0x8410];
	[tilespmem:s0+$0x14410] =	vst v55  }
0x93: {  	v2 =	vld [tilespmem:s15+$0xC410];
	[tilespmem:s0+$0x14420] =	vst v0  }
0x94: {  	v58 =	vld [tilespmem:s15+$0x8420]  }
0x95: {  	v59 =	vld [tilespmem:s15+$0xC420]  }
0x96: {  	v5 =	vld [tilespmem:s15+$0x10400]  }
0x97: {  	v60 =	vld [tilespmem:s15+$0x10410]  }
0x98: {  	v57 =	vadd.f32 v8, v1;
	v61 =	vld [tilespmem:s15+$0x10420]  }
0x99: {  	v62 =	vadd.f32 v10, v9  }
0x9a: {  	s31 =	sadd.s32 $0x1, s31;
	v0 =	vadd.f32 v54, v57;
	v2 =	vadd.f32 v2, v56  }
0x9b: {  	p0 =	sne.s32 s31, $0x19;
	v1 =	vadd.f32 v59, v58;
	v63 =	vadd.f32 v5, v62  }
.Ltmp2:
0x9c: {  	[tilespmem:s15+$0x14430] =	vst v0;
	v2 =	vadd.f32 v60, v2;
	(pc) =	sbr.rel @p0 .LBB2_2-.Ltmp2, $4  }
0x9d: {  	[tilespmem:s15+$0x14400] =	vst v63;
	v0 =	vadd.f32 v61, v1  }
0x9e: {  	[tilespmem:s15+$0x14410] =	vst v2  }
0x9f: {  	s18 =	sadd.s32 $0x4B00, s1;
	[tilespmem:s15+$0x14420] =	vst v0  }
0xa0: {  	[hbm4b:s6+s16] =	stream.indirect.scatter [tilespmem:s26], [sflag:$0x4], $0x40, s18, s16, $0xb8;
	[tilespmem:$0x16400] =	vst v63  }
0xa1: {  	s30 =	sadd.s32 $0x1, s30  }
0xa2: {  	_ =	swait.ge [sflag:s28], $0x2000;
	p0 =	sne.s32 s30, s11  }
.Ltmp3:
0xa3: {  	[sflag:s28] =	ssyncset.done $0x0;
	(pc) =	sbr.rel @p0 .LBB2_1-.Ltmp3, $4  }
0xa4: {  	[sflag:s28] =	ssyncadd.s32 $0xFFFFE000  }
0xa5: {  	_ =	swait.ge [sflag:s29], $0x2000  }
0xa6: {  	[sflag:s29] =	ssyncset.done $0x0  }
0xa7: {  	[sflag:s29] =	ssyncadd.s32 $0xFFFFE000  }
0xa8: {  	_ =	sfence.sel $0x180000  }
0xa9: {  	[bflag:$0x0] =	sbarrier.arrive $0xFFFF  }
0xaa: {  	_ =	strace $0x90000047  }
0xab: {  	s0 =	stileid.u32;
	[bflag:$0x2] =	sbarrier.arrive $0xFFFF  }
0xac: {  	p0 =	sne.s32 s0, $0x0;
	s0 =	rddreg [dreg:$0x2]  }
0xad: {  	s0 =	sadd.s32 @!p0 $0x100000, s0  }
0xae: {  	[sflag:s0] =	ssyncadd.tile.s32 @!p0 $0x1;
	_ =	shalt  }
.Lfunc_end2:
_tile_overlayer_lowered:
.L_overlay_start_2:
0xaf: {  	(tag) =	ssettag $0x2  }
0xb0: {  	s0 =	rddreg [dreg:$0x0];
	s2 =	stileid.u32  }
0xb1: {  	s1 =	rddreg [dreg:$0x1];
	p0 =	sne.s32 s2, $0x0  }
0xb2: {  	s3 =	rddreg [dreg:$0x2];
	[bflag:$0x3] =	sbarrier.arrive $0xFFFF;
	s2 =	simm.s32 @!p0 $0x1C05  }
0xb3: {  	[timem:s3], [sflag:s2] =	dma.local @!p0 [hbm:s0], s1  }
0xb4: {  	s0 =	simm.s32 @!p0 $0x5  }
0xb5: {  	_ =	swait.ge @!p0 [sflag:s0], s1  }
0xb6: {  	s1 =	ssub.s32 @!p0 $0x0, s1;
	[sflag:s0] =	ssyncset.done @!p0 $0x0  }
0xb7: {  	[sflag:s0] =	ssyncadd.s32 @!p0 s1  }
0xb8: {  	[bflag:$0x3] =	sbarrier.arrive $0xFFFF  }
0xb9: {  	_ =	shalt  }

</sc_bundles>
